<compile_context>
chip_gen: v7x
topology: tpu7x:2x2x1
jax: 0.10.2.dev20260603
libtpu: 0.0.44.dev20260713+nightly
codegen_flags: <defaults>
</compile_context>

<pallas_src>
import functools

import numpy as np

import jax
import jax.numpy as jnp
from jax import lax
from jax.experimental import pallas as pl
from jax.experimental.pallas import tpu as pltpu
from jax.experimental.pallas import tpu_sc as plsc

N = 10000
E = 320000
IN_DIM = 128
OUT_DIM = 64

NC = 2
NS = 16
NW = NC * NS
NPAD = 10240
CH = 64
NCHUNK = 160
EPW = NCHUNK * CH
EPAD = NW * EPW
NROWS_T = NPAD // NS

CHB = 64
NCHB = 160

_HIGH = lax.Precision.HIGHEST

_mesh = plsc.VectorSubcoreMesh(
    core_axis_name="c", subcore_axis_name="s", num_cores=NC, num_subcores=NS
)
_sc_params = pltpu.CompilerParams(
    needs_layout_passes=False, use_tc_tiling_on_sc=False)

_PERM = np.empty(IN_DIM, np.int64)
for _k in range(IN_DIM // 32):
    for _i in range(16):
        _PERM[32 * _k + 2 * _i] = 32 * _k + _i
        _PERM[32 * _k + 2 * _i + 1] = 32 * _k + 16 + _i
_PMAT = np.zeros((IN_DIM, IN_DIM), np.float32)
_PMAT[_PERM, np.arange(IN_DIM)] = 1.0


def _prep_body(x_ref, wgcn_ref, wg_ref, wgat_ref, wa_ref, att2_ref,
               g_ref, asad_ref):
    x = x_ref[...]
    m1 = jnp.dot(wgcn_ref[...], wg_ref[...],
                 preferred_element_type=jnp.float32, precision=_HIGH)
    m2 = jnp.dot(wgat_ref[...], wa_ref[...],
                 preferred_element_type=jnp.float32, precision=_HIGH)
    g1 = jnp.dot(x, m1, preferred_element_type=jnp.float32, precision=_HIGH)
    g2 = jnp.dot(x, m2, preferred_element_type=jnp.float32, precision=_HIGH)
    g_ref[...] = jnp.concatenate([g1, g2], axis=1)
    u = jnp.dot(wgat_ref[...], att2_ref[...],
                preferred_element_type=jnp.float32, precision=_HIGH)
    asad_ref[...] = lax.dot_general(
        u, x, (((0,), (1,)), ((), ())),
        preferred_element_type=jnp.float32, precision=_HIGH)


def _prep(xpad, W_gcn, w_gcn, W_gat, w_gat, att2):
    return pl.pallas_call(
        _prep_body,
        out_shape=(
            jax.ShapeDtypeStruct((NPAD, IN_DIM), jnp.float32),
            jax.ShapeDtypeStruct((2, NPAD), jnp.float32),
        ),
    )(xpad, W_gcn, w_gcn, W_gat, w_gat, att2)


@functools.partial(
    pl.kernel,
    out_type=(
        jax.ShapeDtypeStruct((NW, EPW), jnp.float32),
        jax.ShapeDtypeStruct((NC, NPAD), jnp.float32),
        jax.ShapeDtypeStruct((NC, NPAD), jnp.float32),
    ),
    mesh=_mesh,
    scratch_types=(
        pltpu.VMEM((NPAD,), jnp.float32),
        pltpu.VMEM((NPAD,), jnp.float32),
        pltpu.VMEM((NCHUNK, CH), jnp.int32),
        pltpu.VMEM((NCHUNK, CH), jnp.int32),
        pltpu.VMEM((EPW,), jnp.float32),
        pltpu.VMEM((CH,), jnp.float32),
        pltpu.VMEM((NROWS_T,), jnp.float32),
        pltpu.VMEM_SHARED((NPAD,), jnp.float32),
        pltpu.VMEM_SHARED((NPAD,), jnp.float32),
        pltpu.SemaphoreType.DMA,
        pltpu.SemaphoreType.DMA,
    ),
    compiler_params=_sc_params,
)
def _edge_scalar_kernel(srcp, dstp, asad, ee_out, degp, denp,
                        as_v, ad_v, src_v, dst_v, ee_v, ones_v, zero_v,
                        deg_sh, den_sh, sem1, sem2):
    c = lax.axis_index("c")
    s = lax.axis_index("s")
    w = s * NC + c
    zf = jnp.zeros((16,), jnp.float32)
    of = jnp.ones((16,), jnp.float32)

    pltpu.sync_copy(asad.at[0], as_v)
    pltpu.sync_copy(asad.at[1], ad_v)
    pltpu.sync_copy(srcp.at[w], src_v)
    pltpu.sync_copy(dstp.at[w], dst_v)

    @pl.loop(0, CH // 16)
    def _fill_ones(i):
        ones_v[pl.ds(i * 16, 16)] = of

    @pl.loop(0, NROWS_T // 16)
    def _fill_zeros(i):
        zero_v[pl.ds(i * 16, 16)] = zf

    pltpu.sync_copy(zero_v, deg_sh.at[pl.ds(s * NROWS_T, NROWS_T)])
    pltpu.sync_copy(zero_v, den_sh.at[pl.ds(s * NROWS_T, NROWS_T)])
    plsc.subcore_barrier()

    @pl.loop(0, NCHUNK)
    def _chunk(j):
        @pl.loop(0, CH // 16)
        def _grp(g):
            sl = pl.ds(g * 16, 16)
            s16 = src_v[j, sl]
            d16 = dst_v[j, sl]
            asv = plsc.load_gather(as_v, [s16])
            adv = plsc.load_gather(ad_v, [d16])
            e = asv + adv
            e = jnp.maximum(e, 0.2 * e)
            ee = jnp.exp(e)
            ee_v[pl.ds(j * CH + g * 16, 16)] = ee

        cp1 = pltpu.async_copy(ones_v, deg_sh.at[dst_v.at[j]], sem1, add=True)
        cp2 = pltpu.async_copy(ee_v.at[pl.ds(j * CH, CH)],
                               den_sh.at[dst_v.at[j]], sem2, add=True)
        cp1.wait()
        cp2.wait()

    pltpu.sync_copy(ee_v, ee_out.at[w])
    plsc.subcore_barrier()

    pltpu.sync_copy(deg_sh.at[pl.ds(s * NROWS_T, NROWS_T)],
                    degp.at[c, pl.ds(s * NROWS_T, NROWS_T)])
    pltpu.sync_copy(den_sh.at[pl.ds(s * NROWS_T, NROWS_T)],
                    denp.at[c, pl.ds(s * NROWS_T, NROWS_T)])


def _mid_body(degp_ref, denp_ref, asad_ref, g_ref, pmat_ref,
              vec_ref, gp_ref):
    deg = degp_ref[0] + degp_ref[1] + 1.0
    e_self = asad_ref[0] + asad_ref[1]
    e_self = jnp.maximum(e_self, 0.2 * e_self)
    ee_self = jnp.exp(e_self)
    den = denp_ref[0] + denp_ref[1] + ee_self
    dinv = lax.rsqrt(deg)
    rden = 1.0 / den
    invdeg = 1.0 / deg
    selfgat = ee_self * rden
    vec_ref[...] = jnp.stack([dinv, rden, invdeg, selfgat], axis=0)
    g = g_ref[...]
    gp = jnp.concatenate(
        [g[:, :OUT_DIM] * dinv[:, None], g[:, OUT_DIM:]], axis=1)
    gp_ref[...] = jnp.dot(gp, pmat_ref[...],
                          preferred_element_type=jnp.float32,
                          precision=_HIGH).astype(jnp.bfloat16)


def _mid(degp, denp, asad, G, pmat):
    return pl.pallas_call(
        _mid_body,
        out_shape=(
            jax.ShapeDtypeStruct((4, NPAD), jnp.float32),
            jax.ShapeDtypeStruct((NPAD, IN_DIM), jnp.bfloat16),
        ),
    )(degp, denp, asad, G, pmat)


@functools.partial(
    pl.kernel,
    out_type=jax.ShapeDtypeStruct((NC, NPAD, IN_DIM), jnp.float32),
    mesh=_mesh,
    scratch_types=(
        pltpu.VMEM((NCHB, CHB), jnp.int32),
        pltpu.VMEM((NCHB, CHB), jnp.int32),
        pltpu.VMEM((CHB,), jnp.float32),
        pltpu.VMEM((CHB,), jnp.float32),
        pltpu.VMEM((CHB, IN_DIM), jnp.bfloat16),
        pltpu.VMEM((CHB, IN_DIM), jnp.bfloat16),
        pltpu.VMEM((CHB, IN_DIM), jnp.float32),
        pltpu.VMEM((CHB, IN_DIM), jnp.float32),
        pltpu.VMEM_SHARED((NPAD, IN_DIM), jnp.float32),
        pltpu.SemaphoreType.DMA,
        pltpu.SemaphoreType.DMA,
        pltpu.SemaphoreType.DMA,
        pltpu.SemaphoreType.DMA,
    ),
    compiler_params=_sc_params,
)
def _edge_row_kernel(srcp, dstp, eep, gp, accp,
                     src_v, dst_v, ee0, ee1, rbf0, rbf1, rf0, rf1,
                     acc_sh, gs0, gs1, ss0, ss1):
    c = lax.axis_index("c")
    s = lax.axis_index("s")
    w = s * NC + c
    pltpu.sync_copy(srcp.at[w], src_v)
    pltpu.sync_copy(dstp.at[w], dst_v)

    rsl = pl.ds(s * NROWS_T, NROWS_T)
    zf = jnp.zeros((16,), jnp.float32)

    pltpu.async_copy(gp.at[src_v.at[0]], rbf0, gs0)
    pltpu.async_copy(eep.at[w, pl.ds(0, CHB)], ee0, gs0)

    @pl.loop(0, CHB)
    def _zero(r):
        for k in range(IN_DIM // 16):
            rf1[r, pl.ds(k * 16, 16)] = zf

    for i in range(NROWS_T // CHB):
        pltpu.sync_copy(rf1, acc_sh.at[pl.ds(s * NROWS_T + i * CHB, CHB)])
    plsc.subcore_barrier()

    bf_bufs = (rbf0, rbf1)
    f_bufs = (rf0, rf1)
    ee_bufs = (ee0, ee1)
    gsems = (gs0, gs1)
    ssems = (ss0, ss1)

    @pl.loop(0, NCHB // 2)
    def _pair(t):
        for b in range(2):
            jj = t * 2 + b
            rbf, rf, eb = bf_bufs[b], f_bufs[b], ee_bufs[b]
            gb, sb = gsems[b], ssems[b]
            rbf_o, eb_o = bf_bufs[1 - b], ee_bufs[1 - b]
            rf_o = f_bufs[1 - b]
            go, so = gsems[1 - b], ssems[1 - b]

            pltpu.make_async_copy(gp.at[src_v.at[jj]], rbf, gb).wait()
            pltpu.make_async_copy(eep.at[w, pl.ds(jj * CHB, CHB)], eb,
                                  gb).wait()

            @pl.when(jnp.logical_and(jj >= 1, jj + 1 < NCHB))
            def _drain():
                pltpu.make_async_copy(
                    rf_o, acc_sh.at[dst_v.at[jj - 1]], so).wait()

            @pl.when(jj + 1 < NCHB)
            def _prefetch():
                pltpu.async_copy(gp.at[src_v.at[jj + 1]], rbf_o, go)
                pltpu.async_copy(eep.at[w, pl.ds((jj + 1) * CHB, CHB)],
                                 eb_o, go)

            @pl.loop(0, CHB, unroll=2)
            def _scale(e):
                eev = plsc.load_gather(eb, [jnp.full((16,), e, jnp.int32)])
                for k in range(IN_DIM // 32):
                    v = rbf[e, pl.ds(k * 32, 32)]
                    va, vb = plsc.unpack(
                        v, format=plsc.PackFormat.INTERLEAVED)
                    if k >= OUT_DIM // 32:
                        va = va * eev
                        vb = vb * eev
                    rf[e, pl.ds(k * 32, 16)] = va
                    rf[e, pl.ds(k * 32 + 16, 16)] = vb

            pltpu.async_copy(rf, acc_sh.at[dst_v.at[jj]], sb, add=True)

    pltpu.make_async_copy(rf0, acc_sh.at[dst_v.at[NCHB - 2]], ss0).wait()
    pltpu.make_async_copy(rf1, acc_sh.at[dst_v.at[NCHB - 1]], ss1).wait()
    plsc.subcore_barrier()
    pltpu.sync_copy(acc_sh.at[rsl], accp.at[c, rsl])


def _final_body(accp_ref, g_ref, vec_ref, b2_ref, wg_ref, wa_ref, out_ref):
    acc = accp_ref[0] + accp_ref[1]
    g = g_ref[...]
    dinv = vec_ref[0]
    rden = vec_ref[1]
    invdeg = vec_ref[2]
    selfgat = vec_ref[3]
    y = (acc[:, :OUT_DIM] * dinv[:, None]
         + acc[:, OUT_DIM:] * rden[:, None]
         + g[:, :OUT_DIM] * invdeg[:, None]
         + g[:, OUT_DIM:] * selfgat[:, None])
    bias = (jnp.dot(b2_ref[0:1], wg_ref[...],
                    preferred_element_type=jnp.float32, precision=_HIGH)
            + jnp.dot(b2_ref[1:2], wa_ref[...],
                      preferred_element_type=jnp.float32, precision=_HIGH))
    out_ref[...] = jnp.tanh(y + bias)[:N]


def _final(accp, G, vec, b2, w_gcn, w_gat):
    return pl.pallas_call(
        _final_body,
        out_shape=jax.ShapeDtypeStruct((N, OUT_DIM), jnp.float32),
    )(accp, G, vec, b2, w_gcn, w_gat)


def kernel(x, edge_index, W_gcn, b_gcn, W_gat, att_src, att_dst, b_gat,
           w_gcn, w_gat):
    xpad = jnp.pad(x, ((0, NPAD - N), (0, 0)))
    pad_idx = jnp.full((EPAD - E,), N, jnp.int32)
    srcp = jnp.concatenate([edge_index[0], pad_idx]).reshape(NW, NCHUNK, CH)
    dstp = jnp.concatenate([edge_index[1], pad_idx]).reshape(NW, NCHUNK, CH)
    att2 = jnp.stack([att_src, att_dst], axis=1)
    b2 = jnp.stack([b_gcn, b_gat], axis=0)

    srcp_b = srcp.reshape(NW, NCHB, CHB)
    dstp_b = dstp.reshape(NW, NCHB, CHB)

    G, asad = _prep(xpad, W_gcn, w_gcn, W_gat, w_gat, att2)
    ee, degp, denp = _edge_scalar_kernel(srcp, dstp, asad)
    vec, gp = _mid(degp, denp, asad, G, jnp.asarray(_PMAT))
    accp = _edge_row_kernel(srcp_b, dstp_b, ee, gp)
    return _final(accp, G, vec, b2, w_gcn, w_gat)

# --- scband reference (transcript-rebuilt; emitter-appended) ---
"""Pipeline reference for scband-gnn-61692910240507 (READ-ONLY COPY).

The authoritative reference and input builder live on the scoring server;
editing this copy changes nothing except your own understanding.
"""

import jax, jax.numpy as jnp
import numpy as np

N = 10000
E = 320000
IN_DIM = 128
OUT_DIM = 64


def _l2norm_rows(m):
    return m / jnp.clip(jnp.linalg.norm(m, axis=1, keepdims=True), 1e-12)


def setup_inputs(seed: int = 0) -> dict:
    key = jax.random.key(seed)
    ks = jax.random.split(key, 10)
    x = jax.random.normal(ks[0], (N, IN_DIM), dtype=jnp.float32)
    edge_index = jax.random.randint(ks[1], (2, E), 0, N, dtype=jnp.int32)
    W_gcn = jax.random.normal(ks[2], (IN_DIM, IN_DIM), dtype=jnp.float32) * (1.0 / np.sqrt(IN_DIM))
    b_gcn = jnp.zeros((IN_DIM,), dtype=jnp.float32)
    W_gat = jax.random.normal(ks[3], (IN_DIM, IN_DIM), dtype=jnp.float32) * (1.0 / np.sqrt(IN_DIM))
    att_src = jax.random.normal(ks[4], (IN_DIM,), dtype=jnp.float32) * 0.1
    att_dst = jax.random.normal(ks[5], (IN_DIM,), dtype=jnp.float32) * 0.1
    b_gat = jnp.zeros((IN_DIM,), dtype=jnp.float32)
    w_gcn = _l2norm_rows(jax.random.normal(ks[6], (IN_DIM, OUT_DIM), dtype=jnp.float32))
    w_gat = _l2norm_rows(jax.random.normal(ks[7], (IN_DIM, OUT_DIM), dtype=jnp.float32))
    return {"x": x, "edge_index": edge_index, "W_gcn": W_gcn, "b_gcn": b_gcn,
            "W_gat": W_gat, "att_src": att_src, "att_dst": att_dst, "b_gat": b_gat,
            "w_gcn": w_gcn, "w_gat": w_gat}


def _add_self_loops(edge_index, n):
    loop = jnp.arange(n, dtype=edge_index.dtype)
    src = jnp.concatenate([edge_index[0], loop])
    dst = jnp.concatenate([edge_index[1], loop])
    return src, dst


def _gcn_conv(x, edge_index, W, b):
    n = x.shape[0]
    src, dst = _add_self_loops(edge_index, n)
    deg = jax.ops.segment_sum(jnp.ones(src.shape[0], jnp.float32), dst, num_segments=n)
    dinv = jnp.where(deg > 0, deg ** -0.5, 0.0)
    norm = dinv[src] * dinv[dst]
    h = x @ W
    out = jax.ops.segment_sum(h[src] * norm[:, None], dst, num_segments=n)
    return out + b


def _gat_conv(x, edge_index, W, a_src, a_dst, b):
    n = x.shape[0]
    src, dst = _add_self_loops(edge_index, n)
    h = x @ W
    alpha_src = h @ a_src
    alpha_dst = h @ a_dst
    e = jax.nn.leaky_relu(alpha_src[src] + alpha_dst[dst], negative_slope=0.2)
    emax = jax.lax.stop_gradient(jax.ops.segment_max(e, dst, num_segments=n))
    ee = jnp.exp(e - emax[dst])
    denom = jax.ops.segment_sum(ee, dst, num_segments=n)
    alpha = ee / denom[dst]
    out = jax.ops.segment_sum(h[src] * alpha[:, None], dst, num_segments=n)
    return out + b


def reference(x, edge_index, W_gcn, b_gcn, W_gat, att_src, att_dst, b_gat, w_gcn, w_gat):
    x_gcn = _gcn_conv(x, edge_index, W_gcn, b_gcn)
    x_gat = _gat_conv(x, edge_index, W_gat, att_src, att_dst, b_gat)
    out = x_gcn @ w_gcn + 1.0 * (x_gat @ w_gat)
    return jnp.tanh(out)

if __name__ == "__main__":
    import jax
    _d = setup_inputs()
    print(jax.jit(kernel)(*tuple(_d.values())))

</pallas_src>

<mosaic_0001>
#map = affine_map<(d0, d1) -> (0, 0, 0)>
#map1 = affine_map<(d0, d1) -> (0, 0)>
module attributes {stable_mosaic.version = 14 : i64} {
  func.func @_edge_scalar_kernel(%arg0: i32, %arg1: i32, %arg2: memref<32x160x64xi32, #tpu.memory_space<hbm>>, %arg3: memref<32x160x64xi32, #tpu.memory_space<hbm>>, %arg4: memref<2x10240xf32, #tpu.memory_space<hbm>>, %arg5: memref<32x10240xf32, #tpu.memory_space<hbm>>, %arg6: memref<2x10240xf32, #tpu.memory_space<hbm>>, %arg7: memref<2x10240xf32, #tpu.memory_space<hbm>>, %arg8: memref<10240xf32, #tpu.memory_space<vmem>>, %arg9: memref<10240xf32, #tpu.memory_space<vmem>>, %arg10: memref<160x64xi32, #tpu.memory_space<vmem>>, %arg11: memref<160x64xi32, #tpu.memory_space<vmem>>, %arg12: memref<10240xf32, #tpu.memory_space<vmem>>, %arg13: memref<64xf32, #tpu.memory_space<vmem>>, %arg14: memref<640xf32, #tpu.memory_space<vmem>>, %arg15: memref<10240xf32, #tpu.memory_space<vmem_shared>>, %arg16: memref<10240xf32, #tpu.memory_space<vmem_shared>>, %arg17: memref<!tpu.dma_semaphore, #tpu.memory_space<semaphore_mem>>, %arg18: memref<!tpu.dma_semaphore, #tpu.memory_space<semaphore_mem>>) attributes {dimension_semantics = [#tpu.dimension_semantics<core_parallel>, #tpu.dimension_semantics<subcore_parallel>], iteration_bounds = array<i64: 2, 16>, scalar_prefetch = 0 : i64, scratch_operands = 11 : i64, tpu.core_type = #tpu.core_type<sc_vector_subcore>, window_params = [{transform_indices = #map}, {transform_indices = #map}, {transform_indices = #map1}, {transform_indices = #map1}, {transform_indices = #map1}, {transform_indices = #map1}]} {
    %mul3A = arith.constant 2 : i32
    %mul3A_0 = arith.muli %arg1, %mul3A : i32
    %add3A = arith.addi %mul3A_0, %arg0 : i32
    %broadcast_in_dim3A = arith.constant 0.000000e+00 : f32
    %broadcast_in_dim3A_1 = vector.broadcast %broadcast_in_dim3A : f32 to vector<16xf32>
    %broadcast_in_dim3A_2 = arith.constant 1.000000e+00 : f32
    %broadcast_in_dim3A_3 = vector.broadcast %broadcast_in_dim3A_2 : f32 to vector<16xf32>
    %run_scoped3A = arith.constant 0 : i32
    "tpu.region"() ({
      %run_scoped3A_32 = tpu.sem_alloc : memref<!tpu.dma_semaphore, #tpu.memory_space<semaphore_mem>>
      %dma_start3A = arith.constant 0 : i32
      %dma_start3A_33 = tpu.memref_slice %arg4[%run_scoped3A, %dma_start3A] : memref<2x10240xf32, #tpu.memory_space<hbm>> -> memref<1x10240xf32, #tpu.memory_space<hbm>>
      %dma_start3A_34 = tpu.memref_squeeze %dma_start3A_33 : memref<1x10240xf32, #tpu.memory_space<hbm>> -> memref<10240xf32, #tpu.memory_space<hbm>>
      %dma_start3A_35 = arith.constant 0 : i32
      %dma_start3A_36 = tpu.memref_slice %arg4[%run_scoped3A, %dma_start3A_35] : memref<2x10240xf32, #tpu.memory_space<hbm>> -> memref<1x10240xf32, #tpu.memory_space<hbm>>
      %dma_start3A_37 = tpu.memref_squeeze %dma_start3A_36 : memref<1x10240xf32, #tpu.memory_space<hbm>> -> memref<10240xf32, #tpu.memory_space<hbm>>
      tpu.enqueue_dma source(%dma_start3A_37 : memref<10240xf32, #tpu.memory_space<hbm>>) target(%arg8 : memref<10240xf32, #tpu.memory_space<vmem>>) target_semaphore(%run_scoped3A_32 : memref<!tpu.dma_semaphore, #tpu.memory_space<semaphore_mem>>)
      %dma_wait3A = arith.constant 0 : i32
      %dma_wait3A_38 = tpu.memref_slice %arg4[%run_scoped3A, %dma_wait3A] : memref<2x10240xf32, #tpu.memory_space<hbm>> -> memref<1x10240xf32, #tpu.memory_space<hbm>>
      %dma_wait3A_39 = tpu.memref_squeeze %dma_wait3A_38 : memref<1x10240xf32, #tpu.memory_space<hbm>> -> memref<10240xf32, #tpu.memory_space<hbm>>
      %dma_wait3A_40 = arith.constant 0 : i32
      %dma_wait3A_41 = tpu.memref_slice %arg4[%run_scoped3A, %dma_wait3A_40] : memref<2x10240xf32, #tpu.memory_space<hbm>> -> memref<1x10240xf32, #tpu.memory_space<hbm>>
      %dma_wait3A_42 = tpu.memref_squeeze %dma_wait3A_41 : memref<1x10240xf32, #tpu.memory_space<hbm>> -> memref<10240xf32, #tpu.memory_space<hbm>>
      tpu.wait_dma2 semaphore(%run_scoped3A_32 : memref<!tpu.dma_semaphore, #tpu.memory_space<semaphore_mem>>) src(%dma_wait3A_42 : memref<10240xf32, #tpu.memory_space<hbm>>) dst(%arg8 : memref<10240xf32, #tpu.memory_space<vmem>>)
      tpu.yield
    }) : () -> ()
    %run_scoped3A_4 = arith.constant 1 : i32
    "tpu.region"() ({
      %run_scoped3A_32 = tpu.sem_alloc : memref<!tpu.dma_semaphore, #tpu.memory_space<semaphore_mem>>
      %dma_start3A = arith.constant 0 : i32
      %dma_start3A_33 = tpu.memref_slice %arg4[%run_scoped3A_4, %dma_start3A] : memref<2x10240xf32, #tpu.memory_space<hbm>> -> memref<1x10240xf32, #tpu.memory_space<hbm>>
      %dma_start3A_34 = tpu.memref_squeeze %dma_start3A_33 : memref<1x10240xf32, #tpu.memory_space<hbm>> -> memref<10240xf32, #tpu.memory_space<hbm>>
      %dma_start3A_35 = arith.constant 0 : i32
      %dma_start3A_36 = tpu.memref_slice %arg4[%run_scoped3A_4, %dma_start3A_35] : memref<2x10240xf32, #tpu.memory_space<hbm>> -> memref<1x10240xf32, #tpu.memory_space<hbm>>
      %dma_start3A_37 = tpu.memref_squeeze %dma_start3A_36 : memref<1x10240xf32, #tpu.memory_space<hbm>> -> memref<10240xf32, #tpu.memory_space<hbm>>
      tpu.enqueue_dma source(%dma_start3A_37 : memref<10240xf32, #tpu.memory_space<hbm>>) target(%arg9 : memref<10240xf32, #tpu.memory_space<vmem>>) target_semaphore(%run_scoped3A_32 : memref<!tpu.dma_semaphore, #tpu.memory_space<semaphore_mem>>)
      %dma_wait3A = arith.constant 0 : i32
      %dma_wait3A_38 = tpu.memref_slice %arg4[%run_scoped3A_4, %dma_wait3A] : memref<2x10240xf32, #tpu.memory_space<hbm>> -> memref<1x10240xf32, #tpu.memory_space<hbm>>
      %dma_wait3A_39 = tpu.memref_squeeze %dma_wait3A_38 : memref<1x10240xf32, #tpu.memory_space<hbm>> -> memref<10240xf32, #tpu.memory_space<hbm>>
      %dma_wait3A_40 = arith.constant 0 : i32
      %dma_wait3A_41 = tpu.memref_slice %arg4[%run_scoped3A_4, %dma_wait3A_40] : memref<2x10240xf32, #tpu.memory_space<hbm>> -> memref<1x10240xf32, #tpu.memory_space<hbm>>
      %dma_wait3A_42 = tpu.memref_squeeze %dma_wait3A_41 : memref<1x10240xf32, #tpu.memory_space<hbm>> -> memref<10240xf32, #tpu.memory_space<hbm>>
      tpu.wait_dma2 semaphore(%run_scoped3A_32 : memref<!tpu.dma_semaphore, #tpu.memory_space<semaphore_mem>>) src(%dma_wait3A_42 : memref<10240xf32, #tpu.memory_space<hbm>>) dst(%arg9 : memref<10240xf32, #tpu.memory_space<vmem>>)
      tpu.yield
    }) : () -> ()
    "tpu.region"() ({
      %run_scoped3A_32 = tpu.sem_alloc : memref<!tpu.dma_semaphore, #tpu.memory_space<semaphore_mem>>
      %dma_start3A = arith.constant 0 : i32
      %dma_start3A_33 = arith.constant 0 : i32
      %dma_start3A_34 = tpu.memref_slice %arg2[%add3A, %dma_start3A, %dma_start3A_33] : memref<32x160x64xi32, #tpu.memory_space<hbm>> -> memref<1x160x64xi32, #tpu.memory_space<hbm>>
      %dma_start3A_35 = tpu.memref_squeeze %dma_start3A_34 : memref<1x160x64xi32, #tpu.memory_space<hbm>> -> memref<160x64xi32, #tpu.memory_space<hbm>>
      %dma_start3A_36 = arith.constant 0 : i32
      %dma_start3A_37 = arith.constant 0 : i32
      %dma_start3A_38 = tpu.memref_slice %arg2[%add3A, %dma_start3A_36, %dma_start3A_37] : memref<32x160x64xi32, #tpu.memory_space<hbm>> -> memref<1x160x64xi32, #tpu.memory_space<hbm>>
      %dma_start3A_39 = tpu.memref_squeeze %dma_start3A_38 : memref<1x160x64xi32, #tpu.memory_space<hbm>> -> memref<160x64xi32, #tpu.memory_space<hbm>>
      tpu.enqueue_dma source(%dma_start3A_39 : memref<160x64xi32, #tpu.memory_space<hbm>>) target(%arg10 : memref<160x64xi32, #tpu.memory_space<vmem>>) target_semaphore(%run_scoped3A_32 : memref<!tpu.dma_semaphore, #tpu.memory_space<semaphore_mem>>)
      %dma_wait3A = arith.constant 0 : i32
      %dma_wait3A_40 = arith.constant 0 : i32
      %dma_wait3A_41 = tpu.memref_slice %arg2[%add3A, %dma_wait3A, %dma_wait3A_40] : memref<32x160x64xi32, #tpu.memory_space<hbm>> -> memref<1x160x64xi32, #tpu.memory_space<hbm>>
      %dma_wait3A_42 = tpu.memref_squeeze %dma_wait3A_41 : memref<1x160x64xi32, #tpu.memory_space<hbm>> -> memref<160x64xi32, #tpu.memory_space<hbm>>
      %dma_wait3A_43 = arith.constant 0 : i32
      %dma_wait3A_44 = arith.constant 0 : i32
      %dma_wait3A_45 = tpu.memref_slice %arg2[%add3A, %dma_wait3A_43, %dma_wait3A_44] : memref<32x160x64xi32, #tpu.memory_space<hbm>> -> memref<1x160x64xi32, #tpu.memory_space<hbm>>
      %dma_wait3A_46 = tpu.memref_squeeze %dma_wait3A_45 : memref<1x160x64xi32, #tpu.memory_space<hbm>> -> memref<160x64xi32, #tpu.memory_space<hbm>>
      tpu.wait_dma2 semaphore(%run_scoped3A_32 : memref<!tpu.dma_semaphore, #tpu.memory_space<semaphore_mem>>) src(%dma_wait3A_46 : memref<160x64xi32, #tpu.memory_space<hbm>>) dst(%arg10 : memref<160x64xi32, #tpu.memory_space<vmem>>)
      tpu.yield
    }) : () -> ()
    "tpu.region"() ({
      %run_scoped3A_32 = tpu.sem_alloc : memref<!tpu.dma_semaphore, #tpu.memory_space<semaphore_mem>>
      %dma_start3A = arith.constant 0 : i32
      %dma_start3A_33 = arith.constant 0 : i32
      %dma_start3A_34 = tpu.memref_slice %arg3[%add3A, %dma_start3A, %dma_start3A_33] : memref<32x160x64xi32, #tpu.memory_space<hbm>> -> memref<1x160x64xi32, #tpu.memory_space<hbm>>
      %dma_start3A_35 = tpu.memref_squeeze %dma_start3A_34 : memref<1x160x64xi32, #tpu.memory_space<hbm>> -> memref<160x64xi32, #tpu.memory_space<hbm>>
      %dma_start3A_36 = arith.constant 0 : i32
      %dma_start3A_37 = arith.constant 0 : i32
      %dma_start3A_38 = tpu.memref_slice %arg3[%add3A, %dma_start3A_36, %dma_start3A_37] : memref<32x160x64xi32, #tpu.memory_space<hbm>> -> memref<1x160x64xi32, #tpu.memory_space<hbm>>
      %dma_start3A_39 = tpu.memref_squeeze %dma_start3A_38 : memref<1x160x64xi32, #tpu.memory_space<hbm>> -> memref<160x64xi32, #tpu.memory_space<hbm>>
      tpu.enqueue_dma source(%dma_start3A_39 : memref<160x64xi32, #tpu.memory_space<hbm>>) target(%arg11 : memref<160x64xi32, #tpu.memory_space<vmem>>) target_semaphore(%run_scoped3A_32 : memref<!tpu.dma_semaphore, #tpu.memory_space<semaphore_mem>>)
      %dma_wait3A = arith.constant 0 : i32
      %dma_wait3A_40 = arith.constant 0 : i32
      %dma_wait3A_41 = tpu.memref_slice %arg3[%add3A, %dma_wait3A, %dma_wait3A_40] : memref<32x160x64xi32, #tpu.memory_space<hbm>> -> memref<1x160x64xi32, #tpu.memory_space<hbm>>
      %dma_wait3A_42 = tpu.memref_squeeze %dma_wait3A_41 : memref<1x160x64xi32, #tpu.memory_space<hbm>> -> memref<160x64xi32, #tpu.memory_space<hbm>>
      %dma_wait3A_43 = arith.constant 0 : i32
      %dma_wait3A_44 = arith.constant 0 : i32
      %dma_wait3A_45 = tpu.memref_slice %arg3[%add3A, %dma_wait3A_43, %dma_wait3A_44] : memref<32x160x64xi32, #tpu.memory_space<hbm>> -> memref<1x160x64xi32, #tpu.memory_space<hbm>>
      %dma_wait3A_46 = tpu.memref_squeeze %dma_wait3A_45 : memref<1x160x64xi32, #tpu.memory_space<hbm>> -> memref<160x64xi32, #tpu.memory_space<hbm>>
      tpu.wait_dma2 semaphore(%run_scoped3A_32 : memref<!tpu.dma_semaphore, #tpu.memory_space<semaphore_mem>>) src(%dma_wait3A_46 : memref<160x64xi32, #tpu.memory_space<hbm>>) dst(%arg11 : memref<160x64xi32, #tpu.memory_space<vmem>>)
      tpu.yield
    }) : () -> ()
    %scan3A = arith.constant 0 : i32
    %scan3A_5 = arith.constant 4 : i32
    %scan3A_6 = arith.addi %scan3A, %scan3A_5 : i32
    %scan3A_7 = arith.constant 1 : i32
    scf.for %scan3A_32 = %scan3A to %scan3A_6 step %scan3A_7  : i32 {
      %mul3A_33 = arith.constant 1 : i32
      %mul3A_34 = arith.muli %scan3A_32, %mul3A_33 : i32
      %add3A_35 = arith.constant 0 : i32
      %add3A_36 = arith.addi %add3A_35, %mul3A_34 : i32
      %mul3A_37 = arith.constant 16 : i32
      %mul3A_38 = arith.muli %add3A_36, %mul3A_37 : i32
      %swap3A = arith.index_cast %mul3A_38 : i32 to index
      %swap3A_39 = tpu.vector_load %arg13[%swap3A] {strides = array<i32>} : memref<64xf32, #tpu.memory_space<vmem>>, vector<16xf32>,
      tpu.vector_store %arg13[%swap3A], %broadcast_in_dim3A_3 {strides = array<i32>} : memref<64xf32, #tpu.memory_space<vmem>>, vector<16xf32>,
    }
    %scan3A_8 = arith.constant 4 : i32
    %scan3A_9 = arith.constant 0 : i32
    %scan3A_10 = arith.constant 40 : i32
    %scan3A_11 = arith.addi %scan3A_9, %scan3A_10 : i32
    %scan3A_12 = arith.constant 1 : i32
    scf.for %scan3A_32 = %scan3A_9 to %scan3A_11 step %scan3A_12  : i32 {
      %mul3A_33 = arith.constant 1 : i32
      %mul3A_34 = arith.muli %scan3A_32, %mul3A_33 : i32
      %add3A_35 = arith.constant 0 : i32
      %add3A_36 = arith.addi %add3A_35, %mul3A_34 : i32
      %mul3A_37 = arith.constant 16 : i32
      %mul3A_38 = arith.muli %add3A_36, %mul3A_37 : i32
      %swap3A = arith.index_cast %mul3A_38 : i32 to index
      %swap3A_39 = tpu.vector_load %arg14[%swap3A] {strides = array<i32>} : memref<640xf32, #tpu.memory_space<vmem>>, vector<16xf32>,
      tpu.vector_store %arg14[%swap3A], %broadcast_in_dim3A_1 {strides = array<i32>} : memref<640xf32, #tpu.memory_space<vmem>>, vector<16xf32>,
    }
    %scan3A_13 = arith.constant 40 : i32
    %mul3A_14 = arith.constant 640 : i32
    %mul3A_15 = arith.muli %arg1, %mul3A_14 : i32
    "tpu.region"() ({
      %run_scoped3A_32 = tpu.sem_alloc : memref<!tpu.dma_semaphore, #tpu.memory_space<semaphore_mem>>
      %dma_start3A = tpu.memref_slice %arg15[%mul3A_15] : memref<10240xf32, #tpu.memory_space<vmem_shared>> -> memref<640xf32, #tpu.memory_space<vmem_shared>>
      %dma_start3A_33 = tpu.memref_slice %arg15[%mul3A_15] : memref<10240xf32, #tpu.memory_space<vmem_shared>> -> memref<640xf32, #tpu.memory_space<vmem_shared>>
      tpu.enqueue_dma source(%arg14 : memref<640xf32, #tpu.memory_space<vmem>>) target(%dma_start3A_33 : memref<640xf32, #tpu.memory_space<vmem_shared>>) target_semaphore(%run_scoped3A_32 : memref<!tpu.dma_semaphore, #tpu.memory_space<semaphore_mem>>)
      %dma_wait3A = tpu.memref_slice %arg15[%mul3A_15] : memref<10240xf32, #tpu.memory_space<vmem_shared>> -> memref<640xf32, #tpu.memory_space<vmem_shared>>
      %dma_wait3A_34 = tpu.memref_slice %arg15[%mul3A_15] : memref<10240xf32, #tpu.memory_space<vmem_shared>> -> memref<640xf32, #tpu.memory_space<vmem_shared>>
      tpu.wait_dma2 semaphore(%run_scoped3A_32 : memref<!tpu.dma_semaphore, #tpu.memory_space<semaphore_mem>>) src(%arg14 : memref<640xf32, #tpu.memory_space<vmem>>) dst(%dma_wait3A_34 : memref<640xf32, #tpu.memory_space<vmem_shared>>)
      tpu.yield
    }) : () -> ()
    %mul3A_16 = arith.constant 640 : i32
    %mul3A_17 = arith.muli %arg1, %mul3A_16 : i32
    "tpu.region"() ({
      %run_scoped3A_32 = tpu.sem_alloc : memref<!tpu.dma_semaphore, #tpu.memory_space<semaphore_mem>>
      %dma_start3A = tpu.memref_slice %arg16[%mul3A_17] : memref<10240xf32, #tpu.memory_space<vmem_shared>> -> memref<640xf32, #tpu.memory_space<vmem_shared>>
      %dma_start3A_33 = tpu.memref_slice %arg16[%mul3A_17] : memref<10240xf32, #tpu.memory_space<vmem_shared>> -> memref<640xf32, #tpu.memory_space<vmem_shared>>
      tpu.enqueue_dma source(%arg14 : memref<640xf32, #tpu.memory_space<vmem>>) target(%dma_start3A_33 : memref<640xf32, #tpu.memory_space<vmem_shared>>) target_semaphore(%run_scoped3A_32 : memref<!tpu.dma_semaphore, #tpu.memory_space<semaphore_mem>>)
      %dma_wait3A = tpu.memref_slice %arg16[%mul3A_17] : memref<10240xf32, #tpu.memory_space<vmem_shared>> -> memref<640xf32, #tpu.memory_space<vmem_shared>>
      %dma_wait3A_34 = tpu.memref_slice %arg16[%mul3A_17] : memref<10240xf32, #tpu.memory_space<vmem_shared>> -> memref<640xf32, #tpu.memory_space<vmem_shared>>
      tpu.wait_dma2 semaphore(%run_scoped3A_32 : memref<!tpu.dma_semaphore, #tpu.memory_space<semaphore_mem>>) src(%arg14 : memref<640xf32, #tpu.memory_space<vmem>>) dst(%dma_wait3A_34 : memref<640xf32, #tpu.memory_space<vmem_shared>>)
      tpu.yield
    }) : () -> ()
    %barrier3A = arith.constant 0 : index
    tpu.barrier barrier_id(%barrier3A)
    %scan3A_18 = arith.constant 0 : i32
    %scan3A_19 = arith.constant 160 : i32
    %scan3A_20 = arith.addi %scan3A_18, %scan3A_19 : i32
    %scan3A_21 = arith.constant 1 : i32
    scf.for %scan3A_32 = %scan3A_18 to %scan3A_20 step %scan3A_21  : i32 {
      %mul3A_33 = arith.constant 1 : i32
      %mul3A_34 = arith.muli %scan3A_32, %mul3A_33 : i32
      %add3A_35 = arith.constant 0 : i32
      %add3A_36 = arith.addi %add3A_35, %mul3A_34 : i32
      %scan3A_37 = arith.constant 0 : i32
      %scan3A_38 = arith.constant 4 : i32
      %scan3A_39 = arith.addi %scan3A_37, %scan3A_38 : i32
      %scan3A_40 = arith.constant 1 : i32
      scf.for %scan3A_64 = %scan3A_37 to %scan3A_39 step %scan3A_40  : i32 {
        %mul3A_65 = arith.constant 1 : i32
        %mul3A_66 = arith.muli %scan3A_64, %mul3A_65 : i32
        %add3A_67 = arith.constant 0 : i32
        %add3A_68 = arith.addi %add3A_67, %mul3A_66 : i32
        %mul3A_69 = arith.constant 16 : i32
        %mul3A_70 = arith.muli %add3A_68, %mul3A_69 : i32
        %get3A = arith.index_cast %add3A_36 : i32 to index
        %get3A_71 = arith.index_cast %mul3A_70 : i32 to index
        %get3A_72 = tpu.vector_load %arg10[%get3A, %get3A_71] {strides = array<i32>} : memref<160x64xi32, #tpu.memory_space<vmem>>, vector<16xi32>,
        %get3A_73 = arith.index_cast %add3A_36 : i32 to index
        %get3A_74 = arith.index_cast %mul3A_70 : i32 to index
        %get3A_75 = tpu.vector_load %arg11[%get3A_73, %get3A_74] {strides = array<i32>} : memref<160x64xi32, #tpu.memory_space<vmem>>, vector<16xi32>,
        %gather3A = tpu.vector_load_idx %arg8[%get3A_72] : memref<10240xf32, #tpu.memory_space<vmem>>[vector<16xi32>], vector<16xf32>,
        %gather3A_76 = tpu.vector_load_idx %arg9[%get3A_75] : memref<10240xf32, #tpu.memory_space<vmem>>[vector<16xi32>], vector<16xf32>,
        %add3A_77 = arith.addf %gather3A, %gather3A_76 : vector<16xf32>
        %mul3A_78 = arith.constant 2.000000e-01 : f32
        %mul3A_79 = vector.broadcast %mul3A_78 : f32 to vector<16xf32>
        %mul3A_80 = arith.mulf %mul3A_79, %add3A_77 : vector<16xf32>
        %max3A = arith.maximumf %add3A_77, %mul3A_80 : vector<16xf32>
        %exp3A = math.exp %max3A : vector<16xf32>
        %mul3A_81 = arith.constant 64 : i32
        %mul3A_82 = arith.muli %add3A_36, %mul3A_81 : i32
        %mul3A_83 = arith.constant 16 : i32
        %mul3A_84 = arith.muli %add3A_68, %mul3A_83 : i32
        %add3A_85 = arith.addi %mul3A_82, %mul3A_84 : i32
        %swap3A = arith.index_cast %add3A_85 : i32 to index
        %swap3A_86 = tpu.vector_load %arg12[%swap3A] {strides = array<i32>} : memref<10240xf32, #tpu.memory_space<vmem>>, vector<16xf32>,
        tpu.vector_store %arg12[%swap3A], %exp3A {strides = array<i32>} : memref<10240xf32, #tpu.memory_space<vmem>>, vector<16xf32>,
      }
      %scan3A_41 = arith.constant 4 : i32
      %dma_start3A = arith.constant 0 : i32
      %dma_start3A_42 = tpu.memref_slice %arg11[%add3A_36, %dma_start3A] : memref<160x64xi32, #tpu.memory_space<vmem>> -> memref<1x64xi32, #tpu.memory_space<vmem>>
      %dma_start3A_43 = tpu.memref_squeeze %dma_start3A_42 : memref<1x64xi32, #tpu.memory_space<vmem>> -> memref<64xi32, #tpu.memory_space<vmem>>
      %dma_start3A_44 = arith.constant 0 : i32
      %dma_start3A_45 = tpu.memref_slice %arg15[%dma_start3A_44] : memref<10240xf32, #tpu.memory_space<vmem_shared>> -> memref<10240xf32, #tpu.memory_space<vmem_shared>>
      tpu.enqueue_indirect_dma source(%arg13 : memref<64xf32, #tpu.memory_space<vmem>>) target(%dma_start3A_45 : memref<10240xf32, #tpu.memory_space<vmem_shared>>) offsets(%dma_start3A_43 : memref<64xi32, #tpu.memory_space<vmem>>) semaphore(%arg17 : memref<!tpu.dma_semaphore, #tpu.memory_space<semaphore_mem>>) {add = true}
      %mul3A_46 = arith.constant 64 : i32
      %mul3A_47 = arith.muli %add3A_36, %mul3A_46 : i32
      %dma_start3A_48 = tpu.memref_slice %arg12[%mul3A_47] : memref<10240xf32, #tpu.memory_space<vmem>> -> memref<64xf32, #tpu.memory_space<vmem>>
      %dma_start3A_49 = arith.constant 0 : i32
      %dma_start3A_50 = tpu.memref_slice %arg11[%add3A_36, %dma_start3A_49] : memref<160x64xi32, #tpu.memory_space<vmem>> -> memref<1x64xi32, #tpu.memory_space<vmem>>
      %dma_start3A_51 = tpu.memref_squeeze %dma_start3A_50 : memref<1x64xi32, #tpu.memory_space<vmem>> -> memref<64xi32, #tpu.memory_space<vmem>>
      %dma_start3A_52 = arith.constant 0 : i32
      %dma_start3A_53 = tpu.memref_slice %arg16[%dma_start3A_52] : memref<10240xf32, #tpu.memory_space<vmem_shared>> -> memref<10240xf32, #tpu.memory_space<vmem_shared>>
      tpu.enqueue_indirect_dma source(%dma_start3A_48 : memref<64xf32, #tpu.memory_space<vmem>>) target(%dma_start3A_53 : memref<10240xf32, #tpu.memory_space<vmem_shared>>) offsets(%dma_start3A_51 : memref<64xi32, #tpu.memory_space<vmem>>) semaphore(%arg18 : memref<!tpu.dma_semaphore, #tpu.memory_space<semaphore_mem>>) {add = true}
      %dma_wait3A = arith.constant 0 : i32
      %dma_wait3A_54 = tpu.memref_slice %arg11[%add3A_36, %dma_wait3A] : memref<160x64xi32, #tpu.memory_space<vmem>> -> memref<1x64xi32, #tpu.memory_space<vmem>>
      %dma_wait3A_55 = tpu.memref_squeeze %dma_wait3A_54 : memref<1x64xi32, #tpu.memory_space<vmem>> -> memref<64xi32, #tpu.memory_space<vmem>>
      %dma_wait3A_56 = arith.constant 0 : i32
      %dma_wait3A_57 = tpu.memref_slice %arg15[%dma_wait3A_56] : memref<10240xf32, #tpu.memory_space<vmem_shared>> -> memref<10240xf32, #tpu.memory_space<vmem_shared>>
      tpu.wait_indirect_dma semaphore(%arg17 : memref<!tpu.dma_semaphore, #tpu.memory_space<semaphore_mem>>) src(%arg13 : memref<64xf32, #tpu.memory_space<vmem>>) dst(%dma_wait3A_57 : memref<10240xf32, #tpu.memory_space<vmem_shared>>)
      %dma_wait3A_58 = tpu.memref_slice %arg12[%mul3A_47] : memref<10240xf32, #tpu.memory_space<vmem>> -> memref<64xf32, #tpu.memory_space<vmem>>
      %dma_wait3A_59 = arith.constant 0 : i32
      %dma_wait3A_60 = tpu.memref_slice %arg11[%add3A_36, %dma_wait3A_59] : memref<160x64xi32, #tpu.memory_space<vmem>> -> memref<1x64xi32, #tpu.memory_space<vmem>>
      %dma_wait3A_61 = tpu.memref_squeeze %dma_wait3A_60 : memref<1x64xi32, #tpu.memory_space<vmem>> -> memref<64xi32, #tpu.memory_space<vmem>>
      %dma_wait3A_62 = arith.constant 0 : i32
      %dma_wait3A_63 = tpu.memref_slice %arg16[%dma_wait3A_62] : memref<10240xf32, #tpu.memory_space<vmem_shared>> -> memref<10240xf32, #tpu.memory_space<vmem_shared>>
      tpu.wait_indirect_dma semaphore(%arg18 : memref<!tpu.dma_semaphore, #tpu.memory_space<semaphore_mem>>) src(%dma_wait3A_58 : memref<64xf32, #tpu.memory_space<vmem>>) dst(%dma_wait3A_63 : memref<10240xf32, #tpu.memory_space<vmem_shared>>)
    }
    %scan3A_22 = arith.constant 160 : i32
    "tpu.region"() ({
      %run_scoped3A_32 = tpu.sem_alloc : memref<!tpu.dma_semaphore, #tpu.memory_space<semaphore_mem>>
      %dma_start3A = arith.constant 0 : i32
      %dma_start3A_33 = tpu.memref_slice %arg5[%add3A, %dma_start3A] : memref<32x10240xf32, #tpu.memory_space<hbm>> -> memref<1x10240xf32, #tpu.memory_space<hbm>>
      %dma_start3A_34 = tpu.memref_squeeze %dma_start3A_33 : memref<1x10240xf32, #tpu.memory_space<hbm>> -> memref<10240xf32, #tpu.memory_space<hbm>>
      %dma_start3A_35 = arith.constant 0 : i32
      %dma_start3A_36 = tpu.memref_slice %arg5[%add3A, %dma_start3A_35] : memref<32x10240xf32, #tpu.memory_space<hbm>> -> memref<1x10240xf32, #tpu.memory_space<hbm>>
      %dma_start3A_37 = tpu.memref_squeeze %dma_start3A_36 : memref<1x10240xf32, #tpu.memory_space<hbm>> -> memref<10240xf32, #tpu.memory_space<hbm>>
      tpu.enqueue_dma source(%arg12 : memref<10240xf32, #tpu.memory_space<vmem>>) target(%dma_start3A_37 : memref<10240xf32, #tpu.memory_space<hbm>>) target_semaphore(%run_scoped3A_32 : memref<!tpu.dma_semaphore, #tpu.memory_space<semaphore_mem>>)
      %dma_wait3A = arith.constant 0 : i32
      %dma_wait3A_38 = tpu.memref_slice %arg5[%add3A, %dma_wait3A] : memref<32x10240xf32, #tpu.memory_space<hbm>> -> memref<1x10240xf32, #tpu.memory_space<hbm>>
      %dma_wait3A_39 = tpu.memref_squeeze %dma_wait3A_38 : memref<1x10240xf32, #tpu.memory_space<hbm>> -> memref<10240xf32, #tpu.memory_space<hbm>>
      %dma_wait3A_40 = arith.constant 0 : i32
      %dma_wait3A_41 = tpu.memref_slice %arg5[%add3A, %dma_wait3A_40] : memref<32x10240xf32, #tpu.memory_space<hbm>> -> memref<1x10240xf32, #tpu.memory_space<hbm>>
      %dma_wait3A_42 = tpu.memref_squeeze %dma_wait3A_41 : memref<1x10240xf32, #tpu.memory_space<hbm>> -> memref<10240xf32, #tpu.memory_space<hbm>>
      tpu.wait_dma2 semaphore(%run_scoped3A_32 : memref<!tpu.dma_semaphore, #tpu.memory_space<semaphore_mem>>) src(%arg12 : memref<10240xf32, #tpu.memory_space<vmem>>) dst(%dma_wait3A_42 : memref<10240xf32, #tpu.memory_space<hbm>>)
      tpu.yield
    }) : () -> ()
    %barrier3A_23 = arith.constant 0 : index
    tpu.barrier barrier_id(%barrier3A_23)
    %mul3A_24 = arith.constant 640 : i32
    %mul3A_25 = arith.muli %arg1, %mul3A_24 : i32
    %mul3A_26 = arith.constant 640 : i32
    %mul3A_27 = arith.muli %arg1, %mul3A_26 : i32
    "tpu.region"() ({
      %run_scoped3A_32 = tpu.sem_alloc : memref<!tpu.dma_semaphore, #tpu.memory_space<semaphore_mem>>
      %dma_start3A = tpu.memref_slice %arg6[%arg0, %mul3A_27] : memref<2x10240xf32, #tpu.memory_space<hbm>> -> memref<1x640xf32, #tpu.memory_space<hbm>>
      %dma_start3A_33 = tpu.memref_squeeze %dma_start3A : memref<1x640xf32, #tpu.memory_space<hbm>> -> memref<640xf32, #tpu.memory_space<hbm>>
      %dma_start3A_34 = tpu.memref_slice %arg15[%mul3A_25] : memref<10240xf32, #tpu.memory_space<vmem_shared>> -> memref<640xf32, #tpu.memory_space<vmem_shared>>
      tpu.enqueue_dma source(%dma_start3A_34 : memref<640xf32, #tpu.memory_space<vmem_shared>>) target(%dma_start3A_33 : memref<640xf32, #tpu.memory_space<hbm>>) target_semaphore(%run_scoped3A_32 : memref<!tpu.dma_semaphore, #tpu.memory_space<semaphore_mem>>)
      %dma_wait3A = tpu.memref_slice %arg6[%arg0, %mul3A_27] : memref<2x10240xf32, #tpu.memory_space<hbm>> -> memref<1x640xf32, #tpu.memory_space<hbm>>
      %dma_wait3A_35 = tpu.memref_squeeze %dma_wait3A : memref<1x640xf32, #tpu.memory_space<hbm>> -> memref<640xf32, #tpu.memory_space<hbm>>
      %dma_wait3A_36 = tpu.memref_slice %arg15[%mul3A_25] : memref<10240xf32, #tpu.memory_space<vmem_shared>> -> memref<640xf32, #tpu.memory_space<vmem_shared>>
      tpu.wait_dma2 semaphore(%run_scoped3A_32 : memref<!tpu.dma_semaphore, #tpu.memory_space<semaphore_mem>>) src(%dma_wait3A_36 : memref<640xf32, #tpu.memory_space<vmem_shared>>) dst(%dma_wait3A_35 : memref<640xf32, #tpu.memory_space<hbm>>)
      tpu.yield
    }) : () -> ()
    %mul3A_28 = arith.constant 640 : i32
    %mul3A_29 = arith.muli %arg1, %mul3A_28 : i32
    %mul3A_30 = arith.constant 640 : i32
    %mul3A_31 = arith.muli %arg1, %mul3A_30 : i32
    "tpu.region"() ({
      %run_scoped3A_32 = tpu.sem_alloc : memref<!tpu.dma_semaphore, #tpu.memory_space<semaphore_mem>>
      %dma_start3A = tpu.memref_slice %arg7[%arg0, %mul3A_31] : memref<2x10240xf32, #tpu.memory_space<hbm>> -> memref<1x640xf32, #tpu.memory_space<hbm>>
      %dma_start3A_33 = tpu.memref_squeeze %dma_start3A : memref<1x640xf32, #tpu.memory_space<hbm>> -> memref<640xf32, #tpu.memory_space<hbm>>
      %dma_start3A_34 = tpu.memref_slice %arg16[%mul3A_29] : memref<10240xf32, #tpu.memory_space<vmem_shared>> -> memref<640xf32, #tpu.memory_space<vmem_shared>>
      tpu.enqueue_dma source(%dma_start3A_34 : memref<640xf32, #tpu.memory_space<vmem_shared>>) target(%dma_start3A_33 : memref<640xf32, #tpu.memory_space<hbm>>) target_semaphore(%run_scoped3A_32 : memref<!tpu.dma_semaphore, #tpu.memory_space<semaphore_mem>>)
      %dma_wait3A = tpu.memref_slice %arg7[%arg0, %mul3A_31] : memref<2x10240xf32, #tpu.memory_space<hbm>> -> memref<1x640xf32, #tpu.memory_space<hbm>>
      %dma_wait3A_35 = tpu.memref_squeeze %dma_wait3A : memref<1x640xf32, #tpu.memory_space<hbm>> -> memref<640xf32, #tpu.memory_space<hbm>>
      %dma_wait3A_36 = tpu.memref_slice %arg16[%mul3A_29] : memref<10240xf32, #tpu.memory_space<vmem_shared>> -> memref<640xf32, #tpu.memory_space<vmem_shared>>
      tpu.wait_dma2 semaphore(%run_scoped3A_32 : memref<!tpu.dma_semaphore, #tpu.memory_space<semaphore_mem>>) src(%dma_wait3A_36 : memref<640xf32, #tpu.memory_space<vmem_shared>>) dst(%dma_wait3A_35 : memref<640xf32, #tpu.memory_space<hbm>>)
      tpu.yield
    }) : () -> ()
    return
  }
}

#map = affine_map<(d0, d1) -> (0, 0, 0)>
#map1 = affine_map<(d0, d1) -> (0, 0)>
module attributes {stable_mosaic.version = 14 : i64} {
  func.func @_edge_row_kernel(%arg0: i32, %arg1: i32, %arg2: memref<32x160x64xi32, #tpu.memory_space<hbm>>, %arg3: memref<32x160x64xi32, #tpu.memory_space<hbm>>, %arg4: memref<32x10240xf32, #tpu.memory_space<hbm>>, %arg5: memref<10240x128xbf16, #tpu.memory_space<hbm>>, %arg6: memref<2x10240x128xf32, #tpu.memory_space<hbm>>, %arg7: memref<160x64xi32, #tpu.memory_space<vmem>>, %arg8: memref<160x64xi32, #tpu.memory_space<vmem>>, %arg9: memref<64xf32, #tpu.memory_space<vmem>>, %arg10: memref<64xf32, #tpu.memory_space<vmem>>, %arg11: memref<64x128xbf16, #tpu.memory_space<vmem>>, %arg12: memref<64x128xbf16, #tpu.memory_space<vmem>>, %arg13: memref<64x128xf32, #tpu.memory_space<vmem>>, %arg14: memref<64x128xf32, #tpu.memory_space<vmem>>, %arg15: memref<10240x128xf32, #tpu.memory_space<vmem_shared>>, %arg16: memref<!tpu.dma_semaphore, #tpu.memory_space<semaphore_mem>>, %arg17: memref<!tpu.dma_semaphore, #tpu.memory_space<semaphore_mem>>, %arg18: memref<!tpu.dma_semaphore, #tpu.memory_space<semaphore_mem>>, %arg19: memref<!tpu.dma_semaphore, #tpu.memory_space<semaphore_mem>>) attributes {dimension_semantics = [#tpu.dimension_semantics<core_parallel>, #tpu.dimension_semantics<subcore_parallel>], iteration_bounds = array<i64: 2, 16>, scalar_prefetch = 0 : i64, scratch_operands = 13 : i64, tpu.core_type = #tpu.core_type<sc_vector_subcore>, window_params = [{transform_indices = #map}, {transform_indices = #map}, {transform_indices = #map1}, {transform_indices = #map1}, {transform_indices = #map}]} {
    %mul3A = arith.constant 2 : i32
    %mul3A_0 = arith.muli %arg1, %mul3A : i32
    %add3A = arith.addi %mul3A_0, %arg0 : i32
    "tpu.region"() ({
      %run_scoped3A = tpu.sem_alloc : memref<!tpu.dma_semaphore, #tpu.memory_space<semaphore_mem>>
      %dma_start3A_79 = arith.constant 0 : i32
      %dma_start3A_80 = arith.constant 0 : i32
      %dma_start3A_81 = tpu.memref_slice %arg2[%add3A, %dma_start3A_79, %dma_start3A_80] : memref<32x160x64xi32, #tpu.memory_space<hbm>> -> memref<1x160x64xi32, #tpu.memory_space<hbm>>
      %dma_start3A_82 = tpu.memref_squeeze %dma_start3A_81 : memref<1x160x64xi32, #tpu.memory_space<hbm>> -> memref<160x64xi32, #tpu.memory_space<hbm>>
      %dma_start3A_83 = arith.constant 0 : i32
      %dma_start3A_84 = arith.constant 0 : i32
      %dma_start3A_85 = tpu.memref_slice %arg2[%add3A, %dma_start3A_83, %dma_start3A_84] : memref<32x160x64xi32, #tpu.memory_space<hbm>> -> memref<1x160x64xi32, #tpu.memory_space<hbm>>
      %dma_start3A_86 = tpu.memref_squeeze %dma_start3A_85 : memref<1x160x64xi32, #tpu.memory_space<hbm>> -> memref<160x64xi32, #tpu.memory_space<hbm>>
      tpu.enqueue_dma source(%dma_start3A_86 : memref<160x64xi32, #tpu.memory_space<hbm>>) target(%arg7 : memref<160x64xi32, #tpu.memory_space<vmem>>) target_semaphore(%run_scoped3A : memref<!tpu.dma_semaphore, #tpu.memory_space<semaphore_mem>>)
      %dma_wait3A_87 = arith.constant 0 : i32
      %dma_wait3A_88 = arith.constant 0 : i32
      %dma_wait3A_89 = tpu.memref_slice %arg2[%add3A, %dma_wait3A_87, %dma_wait3A_88] : memref<32x160x64xi32, #tpu.memory_space<hbm>> -> memref<1x160x64xi32, #tpu.memory_space<hbm>>
      %dma_wait3A_90 = tpu.memref_squeeze %dma_wait3A_89 : memref<1x160x64xi32, #tpu.memory_space<hbm>> -> memref<160x64xi32, #tpu.memory_space<hbm>>
      %dma_wait3A_91 = arith.constant 0 : i32
      %dma_wait3A_92 = arith.constant 0 : i32
      %dma_wait3A_93 = tpu.memref_slice %arg2[%add3A, %dma_wait3A_91, %dma_wait3A_92] : memref<32x160x64xi32, #tpu.memory_space<hbm>> -> memref<1x160x64xi32, #tpu.memory_space<hbm>>
      %dma_wait3A_94 = tpu.memref_squeeze %dma_wait3A_93 : memref<1x160x64xi32, #tpu.memory_space<hbm>> -> memref<160x64xi32, #tpu.memory_space<hbm>>
      tpu.wait_dma2 semaphore(%run_scoped3A : memref<!tpu.dma_semaphore, #tpu.memory_space<semaphore_mem>>) src(%dma_wait3A_94 : memref<160x64xi32, #tpu.memory_space<hbm>>) dst(%arg7 : memref<160x64xi32, #tpu.memory_space<vmem>>)
      tpu.yield
    }) : () -> ()
    "tpu.region"() ({
      %run_scoped3A = tpu.sem_alloc : memref<!tpu.dma_semaphore, #tpu.memory_space<semaphore_mem>>
      %dma_start3A_79 = arith.constant 0 : i32
      %dma_start3A_80 = arith.constant 0 : i32
      %dma_start3A_81 = tpu.memref_slice %arg3[%add3A, %dma_start3A_79, %dma_start3A_80] : memref<32x160x64xi32, #tpu.memory_space<hbm>> -> memref<1x160x64xi32, #tpu.memory_space<hbm>>
      %dma_start3A_82 = tpu.memref_squeeze %dma_start3A_81 : memref<1x160x64xi32, #tpu.memory_space<hbm>> -> memref<160x64xi32, #tpu.memory_space<hbm>>
      %dma_start3A_83 = arith.constant 0 : i32
      %dma_start3A_84 = arith.constant 0 : i32
      %dma_start3A_85 = tpu.memref_slice %arg3[%add3A, %dma_start3A_83, %dma_start3A_84] : memref<32x160x64xi32, #tpu.memory_space<hbm>> -> memref<1x160x64xi32, #tpu.memory_space<hbm>>
      %dma_start3A_86 = tpu.memref_squeeze %dma_start3A_85 : memref<1x160x64xi32, #tpu.memory_space<hbm>> -> memref<160x64xi32, #tpu.memory_space<hbm>>
      tpu.enqueue_dma source(%dma_start3A_86 : memref<160x64xi32, #tpu.memory_space<hbm>>) target(%arg8 : memref<160x64xi32, #tpu.memory_space<vmem>>) target_semaphore(%run_scoped3A : memref<!tpu.dma_semaphore, #tpu.memory_space<semaphore_mem>>)
      %dma_wait3A_87 = arith.constant 0 : i32
      %dma_wait3A_88 = arith.constant 0 : i32
      %dma_wait3A_89 = tpu.memref_slice %arg3[%add3A, %dma_wait3A_87, %dma_wait3A_88] : memref<32x160x64xi32, #tpu.memory_space<hbm>> -> memref<1x160x64xi32, #tpu.memory_space<hbm>>
      %dma_wait3A_90 = tpu.memref_squeeze %dma_wait3A_89 : memref<1x160x64xi32, #tpu.memory_space<hbm>> -> memref<160x64xi32, #tpu.memory_space<hbm>>
      %dma_wait3A_91 = arith.constant 0 : i32
      %dma_wait3A_92 = arith.constant 0 : i32
      %dma_wait3A_93 = tpu.memref_slice %arg3[%add3A, %dma_wait3A_91, %dma_wait3A_92] : memref<32x160x64xi32, #tpu.memory_space<hbm>> -> memref<1x160x64xi32, #tpu.memory_space<hbm>>
      %dma_wait3A_94 = tpu.memref_squeeze %dma_wait3A_93 : memref<1x160x64xi32, #tpu.memory_space<hbm>> -> memref<160x64xi32, #tpu.memory_space<hbm>>
      tpu.wait_dma2 semaphore(%run_scoped3A : memref<!tpu.dma_semaphore, #tpu.memory_space<semaphore_mem>>) src(%dma_wait3A_94 : memref<160x64xi32, #tpu.memory_space<hbm>>) dst(%arg8 : memref<160x64xi32, #tpu.memory_space<vmem>>)
      tpu.yield
    }) : () -> ()
    %mul3A_1 = arith.constant 640 : i32
    %mul3A_2 = arith.muli %arg1, %mul3A_1 : i32
    %broadcast_in_dim3A = arith.constant 0.000000e+00 : f32
    %broadcast_in_dim3A_3 = vector.broadcast %broadcast_in_dim3A : f32 to vector<16xf32>
    %dma_start3A = arith.constant 0 : i32
    %dma_start3A_4 = arith.constant 0 : i32
    %dma_start3A_5 = tpu.memref_slice %arg7[%dma_start3A, %dma_start3A_4] : memref<160x64xi32, #tpu.memory_space<vmem>> -> memref<1x64xi32, #tpu.memory_space<vmem>>
    %dma_start3A_6 = tpu.memref_squeeze %dma_start3A_5 : memref<1x64xi32, #tpu.memory_space<vmem>> -> memref<64xi32, #tpu.memory_space<vmem>>
    %dma_start3A_7 = arith.constant 0 : i32
    %dma_start3A_8 = arith.constant 0 : i32
    %dma_start3A_9 = tpu.memref_slice %arg5[%dma_start3A_7, %dma_start3A_8] : memref<10240x128xbf16, #tpu.memory_space<hbm>> -> memref<10240x128xbf16, #tpu.memory_space<hbm>>
    tpu.enqueue_indirect_dma source(%dma_start3A_9 : memref<10240x128xbf16, #tpu.memory_space<hbm>>) target(%arg11 : memref<64x128xbf16, #tpu.memory_space<vmem>>) offsets(%dma_start3A_6 : memref<64xi32, #tpu.memory_space<vmem>>) semaphore(%arg16 : memref<!tpu.dma_semaphore, #tpu.memory_space<semaphore_mem>>)
    %dma_start3A_10 = arith.constant 0 : i32
    %dma_start3A_11 = tpu.memref_slice %arg4[%add3A, %dma_start3A_10] : memref<32x10240xf32, #tpu.memory_space<hbm>> -> memref<1x64xf32, #tpu.memory_space<hbm>>
    %dma_start3A_12 = tpu.memref_squeeze %dma_start3A_11 : memref<1x64xf32, #tpu.memory_space<hbm>> -> memref<64xf32, #tpu.memory_space<hbm>>
    %dma_start3A_13 = arith.constant 0 : i32
    %dma_start3A_14 = tpu.memref_slice %arg4[%add3A, %dma_start3A_13] : memref<32x10240xf32, #tpu.memory_space<hbm>> -> memref<1x64xf32, #tpu.memory_space<hbm>>
    %dma_start3A_15 = tpu.memref_squeeze %dma_start3A_14 : memref<1x64xf32, #tpu.memory_space<hbm>> -> memref<64xf32, #tpu.memory_space<hbm>>
    tpu.enqueue_dma source(%dma_start3A_15 : memref<64xf32, #tpu.memory_space<hbm>>) target(%arg9 : memref<64xf32, #tpu.memory_space<vmem>>) target_semaphore(%arg16 : memref<!tpu.dma_semaphore, #tpu.memory_space<semaphore_mem>>)
    %scan3A = arith.constant 0 : i32
    %scan3A_16 = arith.constant 64 : i32
    %scan3A_17 = arith.addi %scan3A, %scan3A_16 : i32
    %scan3A_18 = arith.constant 1 : i32
    scf.for %scan3A_79 = %scan3A to %scan3A_17 step %scan3A_18  : i32 {
      %mul3A_80 = arith.constant 1 : i32
      %mul3A_81 = arith.muli %scan3A_79, %mul3A_80 : i32
      %add3A_82 = arith.constant 0 : i32
      %add3A_83 = arith.addi %add3A_82, %mul3A_81 : i32
      %swap3A = arith.index_cast %add3A_83 : i32 to index
      %swap3A_84 = arith.constant 0 : index
      %swap3A_85 = tpu.vector_load %arg14[%swap3A, %swap3A_84] {strides = array<i32>} : memref<64x128xf32, #tpu.memory_space<vmem>>, vector<16xf32>,
      tpu.vector_store %arg14[%swap3A, %swap3A_84], %broadcast_in_dim3A_3 {strides = array<i32>} : memref<64x128xf32, #tpu.memory_space<vmem>>, vector<16xf32>,
      %swap3A_86 = arith.index_cast %add3A_83 : i32 to index
      %swap3A_87 = arith.constant 16 : index
      %swap3A_88 = tpu.vector_load %arg14[%swap3A_86, %swap3A_87] {strides = array<i32>} : memref<64x128xf32, #tpu.memory_space<vmem>>, vector<16xf32>,
      tpu.vector_store %arg14[%swap3A_86, %swap3A_87], %broadcast_in_dim3A_3 {strides = array<i32>} : memref<64x128xf32, #tpu.memory_space<vmem>>, vector<16xf32>,
      %swap3A_89 = arith.index_cast %add3A_83 : i32 to index
      %swap3A_90 = arith.constant 32 : index
      %swap3A_91 = tpu.vector_load %arg14[%swap3A_89, %swap3A_90] {strides = array<i32>} : memref<64x128xf32, #tpu.memory_space<vmem>>, vector<16xf32>,
      tpu.vector_store %arg14[%swap3A_89, %swap3A_90], %broadcast_in_dim3A_3 {strides = array<i32>} : memref<64x128xf32, #tpu.memory_space<vmem>>, vector<16xf32>,
      %swap3A_92 = arith.index_cast %add3A_83 : i32 to index
      %swap3A_93 = arith.constant 48 : index
      %swap3A_94 = tpu.vector_load %arg14[%swap3A_92, %swap3A_93] {strides = array<i32>} : memref<64x128xf32, #tpu.memory_space<vmem>>, vector<16xf32>,
      tpu.vector_store %arg14[%swap3A_92, %swap3A_93], %broadcast_in_dim3A_3 {strides = array<i32>} : memref<64x128xf32, #tpu.memory_space<vmem>>, vector<16xf32>,
      %swap3A_95 = arith.index_cast %add3A_83 : i32 to index
      %swap3A_96 = arith.constant 64 : index
      %swap3A_97 = tpu.vector_load %arg14[%swap3A_95, %swap3A_96] {strides = array<i32>} : memref<64x128xf32, #tpu.memory_space<vmem>>, vector<16xf32>,
      tpu.vector_store %arg14[%swap3A_95, %swap3A_96], %broadcast_in_dim3A_3 {strides = array<i32>} : memref<64x128xf32, #tpu.memory_space<vmem>>, vector<16xf32>,
      %swap3A_98 = arith.index_cast %add3A_83 : i32 to index
      %swap3A_99 = arith.constant 80 : index
      %swap3A_100 = tpu.vector_load %arg14[%swap3A_98, %swap3A_99] {strides = array<i32>} : memref<64x128xf32, #tpu.memory_space<vmem>>, vector<16xf32>,
      tpu.vector_store %arg14[%swap3A_98, %swap3A_99], %broadcast_in_dim3A_3 {strides = array<i32>} : memref<64x128xf32, #tpu.memory_space<vmem>>, vector<16xf32>,
      %swap3A_101 = arith.index_cast %add3A_83 : i32 to index
      %swap3A_102 = arith.constant 96 : index
      %swap3A_103 = tpu.vector_load %arg14[%swap3A_101, %swap3A_102] {strides = array<i32>} : memref<64x128xf32, #tpu.memory_space<vmem>>, vector<16xf32>,
      tpu.vector_store %arg14[%swap3A_101, %swap3A_102], %broadcast_in_dim3A_3 {strides = array<i32>} : memref<64x128xf32, #tpu.memory_space<vmem>>, vector<16xf32>,
      %swap3A_104 = arith.index_cast %add3A_83 : i32 to index
      %swap3A_105 = arith.constant 112 : index
      %swap3A_106 = tpu.vector_load %arg14[%swap3A_104, %swap3A_105] {strides = array<i32>} : memref<64x128xf32, #tpu.memory_space<vmem>>, vector<16xf32>,
      tpu.vector_store %arg14[%swap3A_104, %swap3A_105], %broadcast_in_dim3A_3 {strides = array<i32>} : memref<64x128xf32, #tpu.memory_space<vmem>>, vector<16xf32>,
    }
    %scan3A_19 = arith.constant 64 : i32
    %mul3A_20 = arith.constant 640 : i32
    %mul3A_21 = arith.muli %arg1, %mul3A_20 : i32
    %add3A_22 = arith.constant 0 : i32
    %add3A_23 = arith.addi %mul3A_21, %add3A_22 : i32
    "tpu.region"() ({
      %run_scoped3A = tpu.sem_alloc : memref<!tpu.dma_semaphore, #tpu.memory_space<semaphore_mem>>
      %dma_start3A_79 = arith.constant 0 : i32
      %dma_start3A_80 = tpu.memref_slice %arg15[%add3A_23, %dma_start3A_79] : memref<10240x128xf32, #tpu.memory_space<vmem_shared>> -> memref<64x128xf32, #tpu.memory_space<vmem_shared>>
      %dma_start3A_81 = arith.constant 0 : i32
      %dma_start3A_82 = tpu.memref_slice %arg15[%add3A_23, %dma_start3A_81] : memref<10240x128xf32, #tpu.memory_space<vmem_shared>> -> memref<64x128xf32, #tpu.memory_space<vmem_shared>>
      tpu.enqueue_dma source(%arg14 : memref<64x128xf32, #tpu.memory_space<vmem>>) target(%dma_start3A_82 : memref<64x128xf32, #tpu.memory_space<vmem_shared>>) target_semaphore(%run_scoped3A : memref<!tpu.dma_semaphore, #tpu.memory_space<semaphore_mem>>)
      %dma_wait3A_83 = arith.constant 0 : i32
      %dma_wait3A_84 = tpu.memref_slice %arg15[%add3A_23, %dma_wait3A_83] : memref<10240x128xf32, #tpu.memory_space<vmem_shared>> -> memref<64x128xf32, #tpu.memory_space<vmem_shared>>
      %dma_wait3A_85 = arith.constant 0 : i32
      %dma_wait3A_86 = tpu.memref_slice %arg15[%add3A_23, %dma_wait3A_85] : memref<10240x128xf32, #tpu.memory_space<vmem_shared>> -> memref<64x128xf32, #tpu.memory_space<vmem_shared>>
      tpu.wait_dma2 semaphore(%run_scoped3A : memref<!tpu.dma_semaphore, #tpu.memory_space<semaphore_mem>>) src(%arg14 : memref<64x128xf32, #tpu.memory_space<vmem>>) dst(%dma_wait3A_86 : memref<64x128xf32, #tpu.memory_space<vmem_shared>>)
      tpu.yield
    }) : () -> ()
    %mul3A_24 = arith.constant 640 : i32
    %mul3A_25 = arith.muli %arg1, %mul3A_24 : i32
    %add3A_26 = arith.constant 64 : i32
    %add3A_27 = arith.addi %mul3A_25, %add3A_26 : i32
    "tpu.region"() ({
      %run_scoped3A = tpu.sem_alloc : memref<!tpu.dma_semaphore, #tpu.memory_space<semaphore_mem>>
      %dma_start3A_79 = arith.constant 0 : i32
      %dma_start3A_80 = tpu.memref_slice %arg15[%add3A_27, %dma_start3A_79] : memref<10240x128xf32, #tpu.memory_space<vmem_shared>> -> memref<64x128xf32, #tpu.memory_space<vmem_shared>>
      %dma_start3A_81 = arith.constant 0 : i32
      %dma_start3A_82 = tpu.memref_slice %arg15[%add3A_27, %dma_start3A_81] : memref<10240x128xf32, #tpu.memory_space<vmem_shared>> -> memref<64x128xf32, #tpu.memory_space<vmem_shared>>
      tpu.enqueue_dma source(%arg14 : memref<64x128xf32, #tpu.memory_space<vmem>>) target(%dma_start3A_82 : memref<64x128xf32, #tpu.memory_space<vmem_shared>>) target_semaphore(%run_scoped3A : memref<!tpu.dma_semaphore, #tpu.memory_space<semaphore_mem>>)
      %dma_wait3A_83 = arith.constant 0 : i32
      %dma_wait3A_84 = tpu.memref_slice %arg15[%add3A_27, %dma_wait3A_83] : memref<10240x128xf32, #tpu.memory_space<vmem_shared>> -> memref<64x128xf32, #tpu.memory_space<vmem_shared>>
      %dma_wait3A_85 = arith.constant 0 : i32
      %dma_wait3A_86 = tpu.memref_slice %arg15[%add3A_27, %dma_wait3A_85] : memref<10240x128xf32, #tpu.memory_space<vmem_shared>> -> memref<64x128xf32, #tpu.memory_space<vmem_shared>>
      tpu.wait_dma2 semaphore(%run_scoped3A : memref<!tpu.dma_semaphore, #tpu.memory_space<semaphore_mem>>) src(%arg14 : memref<64x128xf32, #tpu.memory_space<vmem>>) dst(%dma_wait3A_86 : memref<64x128xf32, #tpu.memory_space<vmem_shared>>)
      tpu.yield
    }) : () -> ()
    %mul3A_28 = arith.constant 640 : i32
    %mul3A_29 = arith.muli %arg1, %mul3A_28 : i32
    %add3A_30 = arith.constant 128 : i32
    %add3A_31 = arith.addi %mul3A_29, %add3A_30 : i32
    "tpu.region"() ({
      %run_scoped3A = tpu.sem_alloc : memref<!tpu.dma_semaphore, #tpu.memory_space<semaphore_mem>>
      %dma_start3A_79 = arith.constant 0 : i32
      %dma_start3A_80 = tpu.memref_slice %arg15[%add3A_31, %dma_start3A_79] : memref<10240x128xf32, #tpu.memory_space<vmem_shared>> -> memref<64x128xf32, #tpu.memory_space<vmem_shared>>
      %dma_start3A_81 = arith.constant 0 : i32
      %dma_start3A_82 = tpu.memref_slice %arg15[%add3A_31, %dma_start3A_81] : memref<10240x128xf32, #tpu.memory_space<vmem_shared>> -> memref<64x128xf32, #tpu.memory_space<vmem_shared>>
      tpu.enqueue_dma source(%arg14 : memref<64x128xf32, #tpu.memory_space<vmem>>) target(%dma_start3A_82 : memref<64x128xf32, #tpu.memory_space<vmem_shared>>) target_semaphore(%run_scoped3A : memref<!tpu.dma_semaphore, #tpu.memory_space<semaphore_mem>>)
      %dma_wait3A_83 = arith.constant 0 : i32
      %dma_wait3A_84 = tpu.memref_slice %arg15[%add3A_31, %dma_wait3A_83] : memref<10240x128xf32, #tpu.memory_space<vmem_shared>> -> memref<64x128xf32, #tpu.memory_space<vmem_shared>>
      %dma_wait3A_85 = arith.constant 0 : i32
      %dma_wait3A_86 = tpu.memref_slice %arg15[%add3A_31, %dma_wait3A_85] : memref<10240x128xf32, #tpu.memory_space<vmem_shared>> -> memref<64x128xf32, #tpu.memory_space<vmem_shared>>
      tpu.wait_dma2 semaphore(%run_scoped3A : memref<!tpu.dma_semaphore, #tpu.memory_space<semaphore_mem>>) src(%arg14 : memref<64x128xf32, #tpu.memory_space<vmem>>) dst(%dma_wait3A_86 : memref<64x128xf32, #tpu.memory_space<vmem_shared>>)
      tpu.yield
    }) : () -> ()
    %mul3A_32 = arith.constant 640 : i32
    %mul3A_33 = arith.muli %arg1, %mul3A_32 : i32
    %add3A_34 = arith.constant 192 : i32
    %add3A_35 = arith.addi %mul3A_33, %add3A_34 : i32
    "tpu.region"() ({
      %run_scoped3A = tpu.sem_alloc : memref<!tpu.dma_semaphore, #tpu.memory_space<semaphore_mem>>
      %dma_start3A_79 = arith.constant 0 : i32
      %dma_start3A_80 = tpu.memref_slice %arg15[%add3A_35, %dma_start3A_79] : memref<10240x128xf32, #tpu.memory_space<vmem_shared>> -> memref<64x128xf32, #tpu.memory_space<vmem_shared>>
      %dma_start3A_81 = arith.constant 0 : i32
      %dma_start3A_82 = tpu.memref_slice %arg15[%add3A_35, %dma_start3A_81] : memref<10240x128xf32, #tpu.memory_space<vmem_shared>> -> memref<64x128xf32, #tpu.memory_space<vmem_shared>>
      tpu.enqueue_dma source(%arg14 : memref<64x128xf32, #tpu.memory_space<vmem>>) target(%dma_start3A_82 : memref<64x128xf32, #tpu.memory_space<vmem_shared>>) target_semaphore(%run_scoped3A : memref<!tpu.dma_semaphore, #tpu.memory_space<semaphore_mem>>)
      %dma_wait3A_83 = arith.constant 0 : i32
      %dma_wait3A_84 = tpu.memref_slice %arg15[%add3A_35, %dma_wait3A_83] : memref<10240x128xf32, #tpu.memory_space<vmem_shared>> -> memref<64x128xf32, #tpu.memory_space<vmem_shared>>
      %dma_wait3A_85 = arith.constant 0 : i32
      %dma_wait3A_86 = tpu.memref_slice %arg15[%add3A_35, %dma_wait3A_85] : memref<10240x128xf32, #tpu.memory_space<vmem_shared>> -> memref<64x128xf32, #tpu.memory_space<vmem_shared>>
      tpu.wait_dma2 semaphore(%run_scoped3A : memref<!tpu.dma_semaphore, #tpu.memory_space<semaphore_mem>>) src(%arg14 : memref<64x128xf32, #tpu.memory_space<vmem>>) dst(%dma_wait3A_86 : memref<64x128xf32, #tpu.memory_space<vmem_shared>>)
      tpu.yield
    }) : () -> ()
    %mul3A_36 = arith.constant 640 : i32
    %mul3A_37 = arith.muli %arg1, %mul3A_36 : i32
    %add3A_38 = arith.constant 256 : i32
    %add3A_39 = arith.addi %mul3A_37, %add3A_38 : i32
    "tpu.region"() ({
      %run_scoped3A = tpu.sem_alloc : memref<!tpu.dma_semaphore, #tpu.memory_space<semaphore_mem>>
      %dma_start3A_79 = arith.constant 0 : i32
      %dma_start3A_80 = tpu.memref_slice %arg15[%add3A_39, %dma_start3A_79] : memref<10240x128xf32, #tpu.memory_space<vmem_shared>> -> memref<64x128xf32, #tpu.memory_space<vmem_shared>>
      %dma_start3A_81 = arith.constant 0 : i32
      %dma_start3A_82 = tpu.memref_slice %arg15[%add3A_39, %dma_start3A_81] : memref<10240x128xf32, #tpu.memory_space<vmem_shared>> -> memref<64x128xf32, #tpu.memory_space<vmem_shared>>
      tpu.enqueue_dma source(%arg14 : memref<64x128xf32, #tpu.memory_space<vmem>>) target(%dma_start3A_82 : memref<64x128xf32, #tpu.memory_space<vmem_shared>>) target_semaphore(%run_scoped3A : memref<!tpu.dma_semaphore, #tpu.memory_space<semaphore_mem>>)
      %dma_wait3A_83 = arith.constant 0 : i32
      %dma_wait3A_84 = tpu.memref_slice %arg15[%add3A_39, %dma_wait3A_83] : memref<10240x128xf32, #tpu.memory_space<vmem_shared>> -> memref<64x128xf32, #tpu.memory_space<vmem_shared>>
      %dma_wait3A_85 = arith.constant 0 : i32
      %dma_wait3A_86 = tpu.memref_slice %arg15[%add3A_39, %dma_wait3A_85] : memref<10240x128xf32, #tpu.memory_space<vmem_shared>> -> memref<64x128xf32, #tpu.memory_space<vmem_shared>>
      tpu.wait_dma2 semaphore(%run_scoped3A : memref<!tpu.dma_semaphore, #tpu.memory_space<semaphore_mem>>) src(%arg14 : memref<64x128xf32, #tpu.memory_space<vmem>>) dst(%dma_wait3A_86 : memref<64x128xf32, #tpu.memory_space<vmem_shared>>)
      tpu.yield
    }) : () -> ()
    %mul3A_40 = arith.constant 640 : i32
    %mul3A_41 = arith.muli %arg1, %mul3A_40 : i32
    %add3A_42 = arith.constant 320 : i32
    %add3A_43 = arith.addi %mul3A_41, %add3A_42 : i32
    "tpu.region"() ({
      %run_scoped3A = tpu.sem_alloc : memref<!tpu.dma_semaphore, #tpu.memory_space<semaphore_mem>>
      %dma_start3A_79 = arith.constant 0 : i32
      %dma_start3A_80 = tpu.memref_slice %arg15[%add3A_43, %dma_start3A_79] : memref<10240x128xf32, #tpu.memory_space<vmem_shared>> -> memref<64x128xf32, #tpu.memory_space<vmem_shared>>
      %dma_start3A_81 = arith.constant 0 : i32
      %dma_start3A_82 = tpu.memref_slice %arg15[%add3A_43, %dma_start3A_81] : memref<10240x128xf32, #tpu.memory_space<vmem_shared>> -> memref<64x128xf32, #tpu.memory_space<vmem_shared>>
      tpu.enqueue_dma source(%arg14 : memref<64x128xf32, #tpu.memory_space<vmem>>) target(%dma_start3A_82 : memref<64x128xf32, #tpu.memory_space<vmem_shared>>) target_semaphore(%run_scoped3A : memref<!tpu.dma_semaphore, #tpu.memory_space<semaphore_mem>>)
      %dma_wait3A_83 = arith.constant 0 : i32
      %dma_wait3A_84 = tpu.memref_slice %arg15[%add3A_43, %dma_wait3A_83] : memref<10240x128xf32, #tpu.memory_space<vmem_shared>> -> memref<64x128xf32, #tpu.memory_space<vmem_shared>>
      %dma_wait3A_85 = arith.constant 0 : i32
      %dma_wait3A_86 = tpu.memref_slice %arg15[%add3A_43, %dma_wait3A_85] : memref<10240x128xf32, #tpu.memory_space<vmem_shared>> -> memref<64x128xf32, #tpu.memory_space<vmem_shared>>
      tpu.wait_dma2 semaphore(%run_scoped3A : memref<!tpu.dma_semaphore, #tpu.memory_space<semaphore_mem>>) src(%arg14 : memref<64x128xf32, #tpu.memory_space<vmem>>) dst(%dma_wait3A_86 : memref<64x128xf32, #tpu.memory_space<vmem_shared>>)
      tpu.yield
    }) : () -> ()
    %mul3A_44 = arith.constant 640 : i32
    %mul3A_45 = arith.muli %arg1, %mul3A_44 : i32
    %add3A_46 = arith.constant 384 : i32
    %add3A_47 = arith.addi %mul3A_45, %add3A_46 : i32
    "tpu.region"() ({
      %run_scoped3A = tpu.sem_alloc : memref<!tpu.dma_semaphore, #tpu.memory_space<semaphore_mem>>
      %dma_start3A_79 = arith.constant 0 : i32
      %dma_start3A_80 = tpu.memref_slice %arg15[%add3A_47, %dma_start3A_79] : memref<10240x128xf32, #tpu.memory_space<vmem_shared>> -> memref<64x128xf32, #tpu.memory_space<vmem_shared>>
      %dma_start3A_81 = arith.constant 0 : i32
      %dma_start3A_82 = tpu.memref_slice %arg15[%add3A_47, %dma_start3A_81] : memref<10240x128xf32, #tpu.memory_space<vmem_shared>> -> memref<64x128xf32, #tpu.memory_space<vmem_shared>>
      tpu.enqueue_dma source(%arg14 : memref<64x128xf32, #tpu.memory_space<vmem>>) target(%dma_start3A_82 : memref<64x128xf32, #tpu.memory_space<vmem_shared>>) target_semaphore(%run_scoped3A : memref<!tpu.dma_semaphore, #tpu.memory_space<semaphore_mem>>)
      %dma_wait3A_83 = arith.constant 0 : i32
      %dma_wait3A_84 = tpu.memref_slice %arg15[%add3A_47, %dma_wait3A_83] : memref<10240x128xf32, #tpu.memory_space<vmem_shared>> -> memref<64x128xf32, #tpu.memory_space<vmem_shared>>
      %dma_wait3A_85 = arith.constant 0 : i32
      %dma_wait3A_86 = tpu.memref_slice %arg15[%add3A_47, %dma_wait3A_85] : memref<10240x128xf32, #tpu.memory_space<vmem_shared>> -> memref<64x128xf32, #tpu.memory_space<vmem_shared>>
      tpu.wait_dma2 semaphore(%run_scoped3A : memref<!tpu.dma_semaphore, #tpu.memory_space<semaphore_mem>>) src(%arg14 : memref<64x128xf32, #tpu.memory_space<vmem>>) dst(%dma_wait3A_86 : memref<64x128xf32, #tpu.memory_space<vmem_shared>>)
      tpu.yield
    }) : () -> ()
    %mul3A_48 = arith.constant 640 : i32
    %mul3A_49 = arith.muli %arg1, %mul3A_48 : i32
    %add3A_50 = arith.constant 448 : i32
    %add3A_51 = arith.addi %mul3A_49, %add3A_50 : i32
    "tpu.region"() ({
      %run_scoped3A = tpu.sem_alloc : memref<!tpu.dma_semaphore, #tpu.memory_space<semaphore_mem>>
      %dma_start3A_79 = arith.constant 0 : i32
      %dma_start3A_80 = tpu.memref_slice %arg15[%add3A_51, %dma_start3A_79] : memref<10240x128xf32, #tpu.memory_space<vmem_shared>> -> memref<64x128xf32, #tpu.memory_space<vmem_shared>>
      %dma_start3A_81 = arith.constant 0 : i32
      %dma_start3A_82 = tpu.memref_slice %arg15[%add3A_51, %dma_start3A_81] : memref<10240x128xf32, #tpu.memory_space<vmem_shared>> -> memref<64x128xf32, #tpu.memory_space<vmem_shared>>
      tpu.enqueue_dma source(%arg14 : memref<64x128xf32, #tpu.memory_space<vmem>>) target(%dma_start3A_82 : memref<64x128xf32, #tpu.memory_space<vmem_shared>>) target_semaphore(%run_scoped3A : memref<!tpu.dma_semaphore, #tpu.memory_space<semaphore_mem>>)
      %dma_wait3A_83 = arith.constant 0 : i32
      %dma_wait3A_84 = tpu.memref_slice %arg15[%add3A_51, %dma_wait3A_83] : memref<10240x128xf32, #tpu.memory_space<vmem_shared>> -> memref<64x128xf32, #tpu.memory_space<vmem_shared>>
      %dma_wait3A_85 = arith.constant 0 : i32
      %dma_wait3A_86 = tpu.memref_slice %arg15[%add3A_51, %dma_wait3A_85] : memref<10240x128xf32, #tpu.memory_space<vmem_shared>> -> memref<64x128xf32, #tpu.memory_space<vmem_shared>>
      tpu.wait_dma2 semaphore(%run_scoped3A : memref<!tpu.dma_semaphore, #tpu.memory_space<semaphore_mem>>) src(%arg14 : memref<64x128xf32, #tpu.memory_space<vmem>>) dst(%dma_wait3A_86 : memref<64x128xf32, #tpu.memory_space<vmem_shared>>)
      tpu.yield
    }) : () -> ()
    %mul3A_52 = arith.constant 640 : i32
    %mul3A_53 = arith.muli %arg1, %mul3A_52 : i32
    %add3A_54 = arith.constant 512 : i32
    %add3A_55 = arith.addi %mul3A_53, %add3A_54 : i32
    "tpu.region"() ({
      %run_scoped3A = tpu.sem_alloc : memref<!tpu.dma_semaphore, #tpu.memory_space<semaphore_mem>>
      %dma_start3A_79 = arith.constant 0 : i32
      %dma_start3A_80 = tpu.memref_slice %arg15[%add3A_55, %dma_start3A_79] : memref<10240x128xf32, #tpu.memory_space<vmem_shared>> -> memref<64x128xf32, #tpu.memory_space<vmem_shared>>
      %dma_start3A_81 = arith.constant 0 : i32
      %dma_start3A_82 = tpu.memref_slice %arg15[%add3A_55, %dma_start3A_81] : memref<10240x128xf32, #tpu.memory_space<vmem_shared>> -> memref<64x128xf32, #tpu.memory_space<vmem_shared>>
      tpu.enqueue_dma source(%arg14 : memref<64x128xf32, #tpu.memory_space<vmem>>) target(%dma_start3A_82 : memref<64x128xf32, #tpu.memory_space<vmem_shared>>) target_semaphore(%run_scoped3A : memref<!tpu.dma_semaphore, #tpu.memory_space<semaphore_mem>>)
      %dma_wait3A_83 = arith.constant 0 : i32
      %dma_wait3A_84 = tpu.memref_slice %arg15[%add3A_55, %dma_wait3A_83] : memref<10240x128xf32, #tpu.memory_space<vmem_shared>> -> memref<64x128xf32, #tpu.memory_space<vmem_shared>>
      %dma_wait3A_85 = arith.constant 0 : i32
      %dma_wait3A_86 = tpu.memref_slice %arg15[%add3A_55, %dma_wait3A_85] : memref<10240x128xf32, #tpu.memory_space<vmem_shared>> -> memref<64x128xf32, #tpu.memory_space<vmem_shared>>
      tpu.wait_dma2 semaphore(%run_scoped3A : memref<!tpu.dma_semaphore, #tpu.memory_space<semaphore_mem>>) src(%arg14 : memref<64x128xf32, #tpu.memory_space<vmem>>) dst(%dma_wait3A_86 : memref<64x128xf32, #tpu.memory_space<vmem_shared>>)
      tpu.yield
    }) : () -> ()
    %mul3A_56 = arith.constant 640 : i32
    %mul3A_57 = arith.muli %arg1, %mul3A_56 : i32
    %add3A_58 = arith.constant 576 : i32
    %add3A_59 = arith.addi %mul3A_57, %add3A_58 : i32
    "tpu.region"() ({
      %run_scoped3A = tpu.sem_alloc : memref<!tpu.dma_semaphore, #tpu.memory_space<semaphore_mem>>
      %dma_start3A_79 = arith.constant 0 : i32
      %dma_start3A_80 = tpu.memref_slice %arg15[%add3A_59, %dma_start3A_79] : memref<10240x128xf32, #tpu.memory_space<vmem_shared>> -> memref<64x128xf32, #tpu.memory_space<vmem_shared>>
      %dma_start3A_81 = arith.constant 0 : i32
      %dma_start3A_82 = tpu.memref_slice %arg15[%add3A_59, %dma_start3A_81] : memref<10240x128xf32, #tpu.memory_space<vmem_shared>> -> memref<64x128xf32, #tpu.memory_space<vmem_shared>>
      tpu.enqueue_dma source(%arg14 : memref<64x128xf32, #tpu.memory_space<vmem>>) target(%dma_start3A_82 : memref<64x128xf32, #tpu.memory_space<vmem_shared>>) target_semaphore(%run_scoped3A : memref<!tpu.dma_semaphore, #tpu.memory_space<semaphore_mem>>)
      %dma_wait3A_83 = arith.constant 0 : i32
      %dma_wait3A_84 = tpu.memref_slice %arg15[%add3A_59, %dma_wait3A_83] : memref<10240x128xf32, #tpu.memory_space<vmem_shared>> -> memref<64x128xf32, #tpu.memory_space<vmem_shared>>
      %dma_wait3A_85 = arith.constant 0 : i32
      %dma_wait3A_86 = tpu.memref_slice %arg15[%add3A_59, %dma_wait3A_85] : memref<10240x128xf32, #tpu.memory_space<vmem_shared>> -> memref<64x128xf32, #tpu.memory_space<vmem_shared>>
      tpu.wait_dma2 semaphore(%run_scoped3A : memref<!tpu.dma_semaphore, #tpu.memory_space<semaphore_mem>>) src(%arg14 : memref<64x128xf32, #tpu.memory_space<vmem>>) dst(%dma_wait3A_86 : memref<64x128xf32, #tpu.memory_space<vmem_shared>>)
      tpu.yield
    }) : () -> ()
    %barrier3A = arith.constant 0 : index
    tpu.barrier barrier_id(%barrier3A)
    %scan3A_60 = arith.constant 0 : i32
    %scan3A_61 = arith.constant 80 : i32
    %scan3A_62 = arith.addi %scan3A_60, %scan3A_61 : i32
    %scan3A_63 = arith.constant 1 : i32
    scf.for %scan3A_79 = %scan3A_60 to %scan3A_62 step %scan3A_63  : i32 {
      %mul3A_80 = arith.constant 1 : i32
      %mul3A_81 = arith.muli %scan3A_79, %mul3A_80 : i32
      %add3A_82 = arith.constant 0 : i32
      %add3A_83 = arith.addi %add3A_82, %mul3A_81 : i32
      %mul3A_84 = arith.constant 2 : i32
      %mul3A_85 = arith.muli %add3A_83, %mul3A_84 : i32
      %add3A_86 = arith.constant 0 : i32
      %add3A_87 = arith.addi %mul3A_85, %add3A_86 : i32
      %dma_wait3A_88 = arith.constant 0 : i32
      %dma_wait3A_89 = tpu.memref_slice %arg7[%add3A_87, %dma_wait3A_88] : memref<160x64xi32, #tpu.memory_space<vmem>> -> memref<1x64xi32, #tpu.memory_space<vmem>>
      %dma_wait3A_90 = tpu.memref_squeeze %dma_wait3A_89 : memref<1x64xi32, #tpu.memory_space<vmem>> -> memref<64xi32, #tpu.memory_space<vmem>>
      %dma_wait3A_91 = arith.constant 0 : i32
      %dma_wait3A_92 = arith.constant 0 : i32
      %dma_wait3A_93 = tpu.memref_slice %arg5[%dma_wait3A_91, %dma_wait3A_92] : memref<10240x128xbf16, #tpu.memory_space<hbm>> -> memref<10240x128xbf16, #tpu.memory_space<hbm>>
      tpu.wait_indirect_dma semaphore(%arg16 : memref<!tpu.dma_semaphore, #tpu.memory_space<semaphore_mem>>) src(%dma_wait3A_93 : memref<10240x128xbf16, #tpu.memory_space<hbm>>) dst(%arg11 : memref<64x128xbf16, #tpu.memory_space<vmem>>)
      %mul3A_94 = arith.constant 64 : i32
      %mul3A_95 = arith.muli %add3A_87, %mul3A_94 : i32
      %dma_wait3A_96 = tpu.memref_slice %arg4[%add3A, %mul3A_95] : memref<32x10240xf32, #tpu.memory_space<hbm>> -> memref<1x64xf32, #tpu.memory_space<hbm>>
      %dma_wait3A_97 = tpu.memref_squeeze %dma_wait3A_96 : memref<1x64xf32, #tpu.memory_space<hbm>> -> memref<64xf32, #tpu.memory_space<hbm>>
      %dma_wait3A_98 = tpu.memref_slice %arg4[%add3A, %mul3A_95] : memref<32x10240xf32, #tpu.memory_space<hbm>> -> memref<1x64xf32, #tpu.memory_space<hbm>>
      %dma_wait3A_99 = tpu.memref_squeeze %dma_wait3A_98 : memref<1x64xf32, #tpu.memory_space<hbm>> -> memref<64xf32, #tpu.memory_space<hbm>>
      tpu.wait_dma2 semaphore(%arg16 : memref<!tpu.dma_semaphore, #tpu.memory_space<semaphore_mem>>) src(%dma_wait3A_99 : memref<64xf32, #tpu.memory_space<hbm>>) dst(%arg9 : memref<64xf32, #tpu.memory_space<vmem>>)
      %ge3A = arith.constant 1 : i32
      %ge3A_100 = arith.cmpi sge, %add3A_87, %ge3A : i32
      %add3A_101 = arith.constant 1 : i32
      %add3A_102 = arith.addi %add3A_87, %add3A_101 : i32
      %lt3A = arith.constant 160 : i32
      %lt3A_103 = arith.cmpi slt, %add3A_102, %lt3A : i32
      %and3A = arith.andi %ge3A_100, %lt3A_103 : i1
      %convert_element_type3A = arith.extui %and3A : i1 to i32
      %cond3A = arith.constant 0 : i32
      %cond3A_104 = arith.cmpi ne, %convert_element_type3A, %cond3A : i32
      scf.if %cond3A_104 {
        %sub3A = arith.constant 1 : i32
        %sub3A_167 = arith.subi %add3A_87, %sub3A : i32
        %dma_wait3A_168 = arith.constant 0 : i32
        %dma_wait3A_169 = tpu.memref_slice %arg8[%sub3A_167, %dma_wait3A_168] : memref<160x64xi32, #tpu.memory_space<vmem>> -> memref<1x64xi32, #tpu.memory_space<vmem>>
        %dma_wait3A_170 = tpu.memref_squeeze %dma_wait3A_169 : memref<1x64xi32, #tpu.memory_space<vmem>> -> memref<64xi32, #tpu.memory_space<vmem>>
        %dma_wait3A_171 = arith.constant 0 : i32
        %dma_wait3A_172 = arith.constant 0 : i32
        %dma_wait3A_173 = tpu.memref_slice %arg15[%dma_wait3A_171, %dma_wait3A_172] : memref<10240x128xf32, #tpu.memory_space<vmem_shared>> -> memref<10240x128xf32, #tpu.memory_space<vmem_shared>>
        tpu.wait_indirect_dma semaphore(%arg19 : memref<!tpu.dma_semaphore, #tpu.memory_space<semaphore_mem>>) src(%arg14 : memref<64x128xf32, #tpu.memory_space<vmem>>) dst(%dma_wait3A_173 : memref<10240x128xf32, #tpu.memory_space<vmem_shared>>)
      } else {
      }
      %add3A_105 = arith.constant 1 : i32
      %add3A_106 = arith.addi %add3A_87, %add3A_105 : i32
      %lt3A_107 = arith.constant 160 : i32
      %lt3A_108 = arith.cmpi slt, %add3A_106, %lt3A_107 : i32
      %convert_element_type3A_109 = arith.extui %lt3A_108 : i1 to i32
      %cond3A_110 = arith.constant 0 : i32
      %cond3A_111 = arith.cmpi ne, %convert_element_type3A_109, %cond3A_110 : i32
      scf.if %cond3A_111 {
        %add3A_167 = arith.constant 1 : i32
        %add3A_168 = arith.addi %add3A_87, %add3A_167 : i32
        %dma_start3A_169 = arith.constant 0 : i32
        %dma_start3A_170 = tpu.memref_slice %arg7[%add3A_168, %dma_start3A_169] : memref<160x64xi32, #tpu.memory_space<vmem>> -> memref<1x64xi32, #tpu.memory_space<vmem>>
        %dma_start3A_171 = tpu.memref_squeeze %dma_start3A_170 : memref<1x64xi32, #tpu.memory_space<vmem>> -> memref<64xi32, #tpu.memory_space<vmem>>
        %dma_start3A_172 = arith.constant 0 : i32
        %dma_start3A_173 = arith.constant 0 : i32
        %dma_start3A_174 = tpu.memref_slice %arg5[%dma_start3A_172, %dma_start3A_173] : memref<10240x128xbf16, #tpu.memory_space<hbm>> -> memref<10240x128xbf16, #tpu.memory_space<hbm>>
        tpu.enqueue_indirect_dma source(%dma_start3A_174 : memref<10240x128xbf16, #tpu.memory_space<hbm>>) target(%arg12 : memref<64x128xbf16, #tpu.memory_space<vmem>>) offsets(%dma_start3A_171 : memref<64xi32, #tpu.memory_space<vmem>>) semaphore(%arg17 : memref<!tpu.dma_semaphore, #tpu.memory_space<semaphore_mem>>)
        %add3A_175 = arith.constant 1 : i32
        %add3A_176 = arith.addi %add3A_87, %add3A_175 : i32
        %mul3A_177 = arith.constant 64 : i32
        %mul3A_178 = arith.muli %add3A_176, %mul3A_177 : i32
        %dma_start3A_179 = tpu.memref_slice %arg4[%add3A, %mul3A_178] : memref<32x10240xf32, #tpu.memory_space<hbm>> -> memref<1x64xf32, #tpu.memory_space<hbm>>
        %dma_start3A_180 = tpu.memref_squeeze %dma_start3A_179 : memref<1x64xf32, #tpu.memory_space<hbm>> -> memref<64xf32, #tpu.memory_space<hbm>>
        %dma_start3A_181 = tpu.memref_slice %arg4[%add3A, %mul3A_178] : memref<32x10240xf32, #tpu.memory_space<hbm>> -> memref<1x64xf32, #tpu.memory_space<hbm>>
        %dma_start3A_182 = tpu.memref_squeeze %dma_start3A_181 : memref<1x64xf32, #tpu.memory_space<hbm>> -> memref<64xf32, #tpu.memory_space<hbm>>
        tpu.enqueue_dma source(%dma_start3A_182 : memref<64xf32, #tpu.memory_space<hbm>>) target(%arg10 : memref<64xf32, #tpu.memory_space<vmem>>) target_semaphore(%arg17 : memref<!tpu.dma_semaphore, #tpu.memory_space<semaphore_mem>>)
      } else {
      }
      %scan3A_112 = arith.constant 0 : i32
      %scan3A_113 = arith.constant 64 : i32
      %scan3A_114 = arith.addi %scan3A_112, %scan3A_113 : i32
      %scan3A_115 = arith.constant 2 : i32
      scf.for %scan3A_167 = %scan3A_112 to %scan3A_114 step %scan3A_115  : i32 {
        %mul3A_168 = arith.constant 1 : i32
        %mul3A_169 = arith.muli %scan3A_167, %mul3A_168 : i32
        %add3A_170 = arith.constant 0 : i32
        %add3A_171 = arith.addi %add3A_170, %mul3A_169 : i32
        %broadcast_in_dim3A_172 = vector.broadcast %add3A_171 : i32 to vector<16xi32>
        %gather3A = tpu.vector_load_idx %arg9[%broadcast_in_dim3A_172] : memref<64xf32, #tpu.memory_space<vmem>>[vector<16xi32>], vector<16xf32>,
        %get3A = arith.index_cast %add3A_171 : i32 to index
        %get3A_173 = arith.constant 0 : index
        %get3A_174 = tpu.vector_load %arg11[%get3A, %get3A_173] {strides = array<i32>} : memref<64x128xbf16, #tpu.memory_space<vmem>>, vector<32xbf16>,
        %unpack3A = tpu.unpack_subelements %get3A_174, 0 {pack_format = #tpu.pack_format<interleaved>} : vector<32xbf16> -> vector<16xf32>
        %unpack3A_175 = tpu.unpack_subelements %get3A_174, 1 {pack_format = #tpu.pack_format<interleaved>} : vector<32xbf16> -> vector<16xf32>
        %swap3A = arith.index_cast %add3A_171 : i32 to index
        %swap3A_176 = arith.constant 0 : index
        %swap3A_177 = tpu.vector_load %arg13[%swap3A, %swap3A_176] {strides = array<i32>} : memref<64x128xf32, #tpu.memory_space<vmem>>, vector<16xf32>,
        tpu.vector_store %arg13[%swap3A, %swap3A_176], %unpack3A {strides = array<i32>} : memref<64x128xf32, #tpu.memory_space<vmem>>, vector<16xf32>,
        %swap3A_178 = arith.index_cast %add3A_171 : i32 to index
        %swap3A_179 = arith.constant 16 : index
        %swap3A_180 = tpu.vector_load %arg13[%swap3A_178, %swap3A_179] {strides = array<i32>} : memref<64x128xf32, #tpu.memory_space<vmem>>, vector<16xf32>,
        tpu.vector_store %arg13[%swap3A_178, %swap3A_179], %unpack3A_175 {strides = array<i32>} : memref<64x128xf32, #tpu.memory_space<vmem>>, vector<16xf32>,
        %get3A_181 = arith.index_cast %add3A_171 : i32 to index
        %get3A_182 = arith.constant 32 : index
        %get3A_183 = tpu.vector_load %arg11[%get3A_181, %get3A_182] {strides = array<i32>} : memref<64x128xbf16, #tpu.memory_space<vmem>>, vector<32xbf16>,
        %unpack3A_184 = tpu.unpack_subelements %get3A_183, 0 {pack_format = #tpu.pack_format<interleaved>} : vector<32xbf16> -> vector<16xf32>
        %unpack3A_185 = tpu.unpack_subelements %get3A_183, 1 {pack_format = #tpu.pack_format<interleaved>} : vector<32xbf16> -> vector<16xf32>
        %swap3A_186 = arith.index_cast %add3A_171 : i32 to index
        %swap3A_187 = arith.constant 32 : index
        %swap3A_188 = tpu.vector_load %arg13[%swap3A_186, %swap3A_187] {strides = array<i32>} : memref<64x128xf32, #tpu.memory_space<vmem>>, vector<16xf32>,
        tpu.vector_store %arg13[%swap3A_186, %swap3A_187], %unpack3A_184 {strides = array<i32>} : memref<64x128xf32, #tpu.memory_space<vmem>>, vector<16xf32>,
        %swap3A_189 = arith.index_cast %add3A_171 : i32 to index
        %swap3A_190 = arith.constant 48 : index
        %swap3A_191 = tpu.vector_load %arg13[%swap3A_189, %swap3A_190] {strides = array<i32>} : memref<64x128xf32, #tpu.memory_space<vmem>>, vector<16xf32>,
        tpu.vector_store %arg13[%swap3A_189, %swap3A_190], %unpack3A_185 {strides = array<i32>} : memref<64x128xf32, #tpu.memory_space<vmem>>, vector<16xf32>,
        %get3A_192 = arith.index_cast %add3A_171 : i32 to index
        %get3A_193 = arith.constant 64 : index
        %get3A_194 = tpu.vector_load %arg11[%get3A_192, %get3A_193] {strides = array<i32>} : memref<64x128xbf16, #tpu.memory_space<vmem>>, vector<32xbf16>,
        %unpack3A_195 = tpu.unpack_subelements %get3A_194, 0 {pack_format = #tpu.pack_format<interleaved>} : vector<32xbf16> -> vector<16xf32>
        %unpack3A_196 = tpu.unpack_subelements %get3A_194, 1 {pack_format = #tpu.pack_format<interleaved>} : vector<32xbf16> -> vector<16xf32>
        %mul3A_197 = arith.mulf %unpack3A_195, %gather3A : vector<16xf32>
        %mul3A_198 = arith.mulf %unpack3A_196, %gather3A : vector<16xf32>
        %swap3A_199 = arith.index_cast %add3A_171 : i32 to index
        %swap3A_200 = arith.constant 64 : index
        %swap3A_201 = tpu.vector_load %arg13[%swap3A_199, %swap3A_200] {strides = array<i32>} : memref<64x128xf32, #tpu.memory_space<vmem>>, vector<16xf32>,
        tpu.vector_store %arg13[%swap3A_199, %swap3A_200], %mul3A_197 {strides = array<i32>} : memref<64x128xf32, #tpu.memory_space<vmem>>, vector<16xf32>,
        %swap3A_202 = arith.index_cast %add3A_171 : i32 to index
        %swap3A_203 = arith.constant 80 : index
        %swap3A_204 = tpu.vector_load %arg13[%swap3A_202, %swap3A_203] {strides = array<i32>} : memref<64x128xf32, #tpu.memory_space<vmem>>, vector<16xf32>,
        tpu.vector_store %arg13[%swap3A_202, %swap3A_203], %mul3A_198 {strides = array<i32>} : memref<64x128xf32, #tpu.memory_space<vmem>>, vector<16xf32>,
        %get3A_205 = arith.index_cast %add3A_171 : i32 to index
        %get3A_206 = arith.constant 96 : index
        %get3A_207 = tpu.vector_load %arg11[%get3A_205, %get3A_206] {strides = array<i32>} : memref<64x128xbf16, #tpu.memory_space<vmem>>, vector<32xbf16>,
        %unpack3A_208 = tpu.unpack_subelements %get3A_207, 0 {pack_format = #tpu.pack_format<interleaved>} : vector<32xbf16> -> vector<16xf32>
        %unpack3A_209 = tpu.unpack_subelements %get3A_207, 1 {pack_format = #tpu.pack_format<interleaved>} : vector<32xbf16> -> vector<16xf32>
        %mul3A_210 = arith.mulf %unpack3A_208, %gather3A : vector<16xf32>
        %mul3A_211 = arith.mulf %unpack3A_209, %gather3A : vector<16xf32>
        %swap3A_212 = arith.index_cast %add3A_171 : i32 to index
        %swap3A_213 = arith.constant 96 : index
        %swap3A_214 = tpu.vector_load %arg13[%swap3A_212, %swap3A_213] {strides = array<i32>} : memref<64x128xf32, #tpu.memory_space<vmem>>, vector<16xf32>,
        tpu.vector_store %arg13[%swap3A_212, %swap3A_213], %mul3A_210 {strides = array<i32>} : memref<64x128xf32, #tpu.memory_space<vmem>>, vector<16xf32>,
        %swap3A_215 = arith.index_cast %add3A_171 : i32 to index
        %swap3A_216 = arith.constant 112 : index
        %swap3A_217 = tpu.vector_load %arg13[%swap3A_215, %swap3A_216] {strides = array<i32>} : memref<64x128xf32, #tpu.memory_space<vmem>>, vector<16xf32>,
        tpu.vector_store %arg13[%swap3A_215, %swap3A_216], %mul3A_211 {strides = array<i32>} : memref<64x128xf32, #tpu.memory_space<vmem>>, vector<16xf32>,
        %scan3A_218 = arith.constant 1 : i32
        %scan3A_219 = arith.addi %scan3A_167, %scan3A_218 : i32
        %mul3A_220 = arith.constant 1 : i32
        %mul3A_221 = arith.muli %scan3A_219, %mul3A_220 : i32
        %add3A_222 = arith.constant 0 : i32
        %add3A_223 = arith.addi %add3A_222, %mul3A_221 : i32
        %broadcast_in_dim3A_224 = vector.broadcast %add3A_223 : i32 to vector<16xi32>
        %gather3A_225 = tpu.vector_load_idx %arg9[%broadcast_in_dim3A_224] : memref<64xf32, #tpu.memory_space<vmem>>[vector<16xi32>], vector<16xf32>,
        %get3A_226 = arith.index_cast %add3A_223 : i32 to index
        %get3A_227 = arith.constant 0 : index
        %get3A_228 = tpu.vector_load %arg11[%get3A_226, %get3A_227] {strides = array<i32>} : memref<64x128xbf16, #tpu.memory_space<vmem>>, vector<32xbf16>,
        %unpack3A_229 = tpu.unpack_subelements %get3A_228, 0 {pack_format = #tpu.pack_format<interleaved>} : vector<32xbf16> -> vector<16xf32>
        %unpack3A_230 = tpu.unpack_subelements %get3A_228, 1 {pack_format = #tpu.pack_format<interleaved>} : vector<32xbf16> -> vector<16xf32>
        %swap3A_231 = arith.index_cast %add3A_223 : i32 to index
        %swap3A_232 = arith.constant 0 : index
        %swap3A_233 = tpu.vector_load %arg13[%swap3A_231, %swap3A_232] {strides = array<i32>} : memref<64x128xf32, #tpu.memory_space<vmem>>, vector<16xf32>,
        tpu.vector_store %arg13[%swap3A_231, %swap3A_232], %unpack3A_229 {strides = array<i32>} : memref<64x128xf32, #tpu.memory_space<vmem>>, vector<16xf32>,
        %swap3A_234 = arith.index_cast %add3A_223 : i32 to index
        %swap3A_235 = arith.constant 16 : index
        %swap3A_236 = tpu.vector_load %arg13[%swap3A_234, %swap3A_235] {strides = array<i32>} : memref<64x128xf32, #tpu.memory_space<vmem>>, vector<16xf32>,
        tpu.vector_store %arg13[%swap3A_234, %swap3A_235], %unpack3A_230 {strides = array<i32>} : memref<64x128xf32, #tpu.memory_space<vmem>>, vector<16xf32>,
        %get3A_237 = arith.index_cast %add3A_223 : i32 to index
        %get3A_238 = arith.constant 32 : index
        %get3A_239 = tpu.vector_load %arg11[%get3A_237, %get3A_238] {strides = array<i32>} : memref<64x128xbf16, #tpu.memory_space<vmem>>, vector<32xbf16>,
        %unpack3A_240 = tpu.unpack_subelements %get3A_239, 0 {pack_format = #tpu.pack_format<interleaved>} : vector<32xbf16> -> vector<16xf32>
        %unpack3A_241 = tpu.unpack_subelements %get3A_239, 1 {pack_format = #tpu.pack_format<interleaved>} : vector<32xbf16> -> vector<16xf32>
        %swap3A_242 = arith.index_cast %add3A_223 : i32 to index
        %swap3A_243 = arith.constant 32 : index
        %swap3A_244 = tpu.vector_load %arg13[%swap3A_242, %swap3A_243] {strides = array<i32>} : memref<64x128xf32, #tpu.memory_space<vmem>>, vector<16xf32>,
        tpu.vector_store %arg13[%swap3A_242, %swap3A_243], %unpack3A_240 {strides = array<i32>} : memref<64x128xf32, #tpu.memory_space<vmem>>, vector<16xf32>,
        %swap3A_245 = arith.index_cast %add3A_223 : i32 to index
        %swap3A_246 = arith.constant 48 : index
        %swap3A_247 = tpu.vector_load %arg13[%swap3A_245, %swap3A_246] {strides = array<i32>} : memref<64x128xf32, #tpu.memory_space<vmem>>, vector<16xf32>,
        tpu.vector_store %arg13[%swap3A_245, %swap3A_246], %unpack3A_241 {strides = array<i32>} : memref<64x128xf32, #tpu.memory_space<vmem>>, vector<16xf32>,
        %get3A_248 = arith.index_cast %add3A_223 : i32 to index
        %get3A_249 = arith.constant 64 : index
        %get3A_250 = tpu.vector_load %arg11[%get3A_248, %get3A_249] {strides = array<i32>} : memref<64x128xbf16, #tpu.memory_space<vmem>>, vector<32xbf16>,
        %unpack3A_251 = tpu.unpack_subelements %get3A_250, 0 {pack_format = #tpu.pack_format<interleaved>} : vector<32xbf16> -> vector<16xf32>
        %unpack3A_252 = tpu.unpack_subelements %get3A_250, 1 {pack_format = #tpu.pack_format<interleaved>} : vector<32xbf16> -> vector<16xf32>
        %mul3A_253 = arith.mulf %unpack3A_251, %gather3A_225 : vector<16xf32>
        %mul3A_254 = arith.mulf %unpack3A_252, %gather3A_225 : vector<16xf32>
        %swap3A_255 = arith.index_cast %add3A_223 : i32 to index
        %swap3A_256 = arith.constant 64 : index
        %swap3A_257 = tpu.vector_load %arg13[%swap3A_255, %swap3A_256] {strides = array<i32>} : memref<64x128xf32, #tpu.memory_space<vmem>>, vector<16xf32>,
        tpu.vector_store %arg13[%swap3A_255, %swap3A_256], %mul3A_253 {strides = array<i32>} : memref<64x128xf32, #tpu.memory_space<vmem>>, vector<16xf32>,
        %swap3A_258 = arith.index_cast %add3A_223 : i32 to index
        %swap3A_259 = arith.constant 80 : index
        %swap3A_260 = tpu.vector_load %arg13[%swap3A_258, %swap3A_259] {strides = array<i32>} : memref<64x128xf32, #tpu.memory_space<vmem>>, vector<16xf32>,
        tpu.vector_store %arg13[%swap3A_258, %swap3A_259], %mul3A_254 {strides = array<i32>} : memref<64x128xf32, #tpu.memory_space<vmem>>, vector<16xf32>,
        %get3A_261 = arith.index_cast %add3A_223 : i32 to index
        %get3A_262 = arith.constant 96 : index
        %get3A_263 = tpu.vector_load %arg11[%get3A_261, %get3A_262] {strides = array<i32>} : memref<64x128xbf16, #tpu.memory_space<vmem>>, vector<32xbf16>,
        %unpack3A_264 = tpu.unpack_subelements %get3A_263, 0 {pack_format = #tpu.pack_format<interleaved>} : vector<32xbf16> -> vector<16xf32>
        %unpack3A_265 = tpu.unpack_subelements %get3A_263, 1 {pack_format = #tpu.pack_format<interleaved>} : vector<32xbf16> -> vector<16xf32>
        %mul3A_266 = arith.mulf %unpack3A_264, %gather3A_225 : vector<16xf32>
        %mul3A_267 = arith.mulf %unpack3A_265, %gather3A_225 : vector<16xf32>
        %swap3A_268 = arith.index_cast %add3A_223 : i32 to index
        %swap3A_269 = arith.constant 96 : index
        %swap3A_270 = tpu.vector_load %arg13[%swap3A_268, %swap3A_269] {strides = array<i32>} : memref<64x128xf32, #tpu.memory_space<vmem>>, vector<16xf32>,
        tpu.vector_store %arg13[%swap3A_268, %swap3A_269], %mul3A_266 {strides = array<i32>} : memref<64x128xf32, #tpu.memory_space<vmem>>, vector<16xf32>,
        %swap3A_271 = arith.index_cast %add3A_223 : i32 to index
        %swap3A_272 = arith.constant 112 : index
        %swap3A_273 = tpu.vector_load %arg13[%swap3A_271, %swap3A_272] {strides = array<i32>} : memref<64x128xf32, #tpu.memory_space<vmem>>, vector<16xf32>,
        tpu.vector_store %arg13[%swap3A_271, %swap3A_272], %mul3A_267 {strides = array<i32>} : memref<64x128xf32, #tpu.memory_space<vmem>>, vector<16xf32>,
      }
      %scan3A_116 = arith.constant 64 : i32
      %dma_start3A_117 = arith.constant 0 : i32
      %dma_start3A_118 = tpu.memref_slice %arg8[%add3A_87, %dma_start3A_117] : memref<160x64xi32, #tpu.memory_space<vmem>> -> memref<1x64xi32, #tpu.memory_space<vmem>>
      %dma_start3A_119 = tpu.memref_squeeze %dma_start3A_118 : memref<1x64xi32, #tpu.memory_space<vmem>> -> memref<64xi32, #tpu.memory_space<vmem>>
      %dma_start3A_120 = arith.constant 0 : i32
      %dma_start3A_121 = arith.constant 0 : i32
      %dma_start3A_122 = tpu.memref_slice %arg15[%dma_start3A_120, %dma_start3A_121] : memref<10240x128xf32, #tpu.memory_space<vmem_shared>> -> memref<10240x128xf32, #tpu.memory_space<vmem_shared>>
      tpu.enqueue_indirect_dma source(%arg13 : memref<64x128xf32, #tpu.memory_space<vmem>>) target(%dma_start3A_122 : memref<10240x128xf32, #tpu.memory_space<vmem_shared>>) offsets(%dma_start3A_119 : memref<64xi32, #tpu.memory_space<vmem>>) semaphore(%arg18 : memref<!tpu.dma_semaphore, #tpu.memory_space<semaphore_mem>>) {add = true}
      %mul3A_123 = arith.constant 2 : i32
      %mul3A_124 = arith.muli %add3A_83, %mul3A_123 : i32
      %add3A_125 = arith.constant 1 : i32
      %add3A_126 = arith.addi %mul3A_124, %add3A_125 : i32
      %dma_wait3A_127 = arith.constant 0 : i32
      %dma_wait3A_128 = tpu.memref_slice %arg7[%add3A_126, %dma_wait3A_127] : memref<160x64xi32, #tpu.memory_space<vmem>> -> memref<1x64xi32, #tpu.memory_space<vmem>>
      %dma_wait3A_129 = tpu.memref_squeeze %dma_wait3A_128 : memref<1x64xi32, #tpu.memory_space<vmem>> -> memref<64xi32, #tpu.memory_space<vmem>>
      %dma_wait3A_130 = arith.constant 0 : i32
      %dma_wait3A_131 = arith.constant 0 : i32
      %dma_wait3A_132 = tpu.memref_slice %arg5[%dma_wait3A_130, %dma_wait3A_131] : memref<10240x128xbf16, #tpu.memory_space<hbm>> -> memref<10240x128xbf16, #tpu.memory_space<hbm>>
      tpu.wait_indirect_dma semaphore(%arg17 : memref<!tpu.dma_semaphore, #tpu.memory_space<semaphore_mem>>) src(%dma_wait3A_132 : memref<10240x128xbf16, #tpu.memory_space<hbm>>) dst(%arg12 : memref<64x128xbf16, #tpu.memory_space<vmem>>)
      %mul3A_133 = arith.constant 64 : i32
      %mul3A_134 = arith.muli %add3A_126, %mul3A_133 : i32
      %dma_wait3A_135 = tpu.memref_slice %arg4[%add3A, %mul3A_134] : memref<32x10240xf32, #tpu.memory_space<hbm>> -> memref<1x64xf32, #tpu.memory_space<hbm>>
      %dma_wait3A_136 = tpu.memref_squeeze %dma_wait3A_135 : memref<1x64xf32, #tpu.memory_space<hbm>> -> memref<64xf32, #tpu.memory_space<hbm>>
      %dma_wait3A_137 = tpu.memref_slice %arg4[%add3A, %mul3A_134] : memref<32x10240xf32, #tpu.memory_space<hbm>> -> memref<1x64xf32, #tpu.memory_space<hbm>>
      %dma_wait3A_138 = tpu.memref_squeeze %dma_wait3A_137 : memref<1x64xf32, #tpu.memory_space<hbm>> -> memref<64xf32, #tpu.memory_space<hbm>>
      tpu.wait_dma2 semaphore(%arg17 : memref<!tpu.dma_semaphore, #tpu.memory_space<semaphore_mem>>) src(%dma_wait3A_138 : memref<64xf32, #tpu.memory_space<hbm>>) dst(%arg10 : memref<64xf32, #tpu.memory_space<vmem>>)
      %ge3A_139 = arith.constant 1 : i32
      %ge3A_140 = arith.cmpi sge, %add3A_126, %ge3A_139 : i32
      %add3A_141 = arith.constant 1 : i32
      %add3A_142 = arith.addi %add3A_126, %add3A_141 : i32
      %lt3A_143 = arith.constant 160 : i32
      %lt3A_144 = arith.cmpi slt, %add3A_142, %lt3A_143 : i32
      %and3A_145 = arith.andi %ge3A_140, %lt3A_144 : i1
      %convert_element_type3A_146 = arith.extui %and3A_145 : i1 to i32
      %cond3A_147 = arith.constant 0 : i32
      %cond3A_148 = arith.cmpi ne, %convert_element_type3A_146, %cond3A_147 : i32
      scf.if %cond3A_148 {
        %sub3A = arith.constant 1 : i32
        %sub3A_167 = arith.subi %add3A_126, %sub3A : i32
        %dma_wait3A_168 = arith.constant 0 : i32
        %dma_wait3A_169 = tpu.memref_slice %arg8[%sub3A_167, %dma_wait3A_168] : memref<160x64xi32, #tpu.memory_space<vmem>> -> memref<1x64xi32, #tpu.memory_space<vmem>>
        %dma_wait3A_170 = tpu.memref_squeeze %dma_wait3A_169 : memref<1x64xi32, #tpu.memory_space<vmem>> -> memref<64xi32, #tpu.memory_space<vmem>>
        %dma_wait3A_171 = arith.constant 0 : i32
        %dma_wait3A_172 = arith.constant 0 : i32
        %dma_wait3A_173 = tpu.memref_slice %arg15[%dma_wait3A_171, %dma_wait3A_172] : memref<10240x128xf32, #tpu.memory_space<vmem_shared>> -> memref<10240x128xf32, #tpu.memory_space<vmem_shared>>
        tpu.wait_indirect_dma semaphore(%arg18 : memref<!tpu.dma_semaphore, #tpu.memory_space<semaphore_mem>>) src(%arg13 : memref<64x128xf32, #tpu.memory_space<vmem>>) dst(%dma_wait3A_173 : memref<10240x128xf32, #tpu.memory_space<vmem_shared>>)
      } else {
      }
      %add3A_149 = arith.constant 1 : i32
      %add3A_150 = arith.addi %add3A_126, %add3A_149 : i32
      %lt3A_151 = arith.constant 160 : i32
      %lt3A_152 = arith.cmpi slt, %add3A_150, %lt3A_151 : i32
      %convert_element_type3A_153 = arith.extui %lt3A_152 : i1 to i32
      %cond3A_154 = arith.constant 0 : i32
      %cond3A_155 = arith.cmpi ne, %convert_element_type3A_153, %cond3A_154 : i32
      scf.if %cond3A_155 {
        %add3A_167 = arith.constant 1 : i32
        %add3A_168 = arith.addi %add3A_126, %add3A_167 : i32
        %dma_start3A_169 = arith.constant 0 : i32
        %dma_start3A_170 = tpu.memref_slice %arg7[%add3A_168, %dma_start3A_169] : memref<160x64xi32, #tpu.memory_space<vmem>> -> memref<1x64xi32, #tpu.memory_space<vmem>>
        %dma_start3A_171 = tpu.memref_squeeze %dma_start3A_170 : memref<1x64xi32, #tpu.memory_space<vmem>> -> memref<64xi32, #tpu.memory_space<vmem>>
        %dma_start3A_172 = arith.constant 0 : i32
        %dma_start3A_173 = arith.constant 0 : i32
        %dma_start3A_174 = tpu.memref_slice %arg5[%dma_start3A_172, %dma_start3A_173] : memref<10240x128xbf16, #tpu.memory_space<hbm>> -> memref<10240x128xbf16, #tpu.memory_space<hbm>>
        tpu.enqueue_indirect_dma source(%dma_start3A_174 : memref<10240x128xbf16, #tpu.memory_space<hbm>>) target(%arg11 : memref<64x128xbf16, #tpu.memory_space<vmem>>) offsets(%dma_start3A_171 : memref<64xi32, #tpu.memory_space<vmem>>) semaphore(%arg16 : memref<!tpu.dma_semaphore, #tpu.memory_space<semaphore_mem>>)
        %add3A_175 = arith.constant 1 : i32
        %add3A_176 = arith.addi %add3A_126, %add3A_175 : i32
        %mul3A_177 = arith.constant 64 : i32
        %mul3A_178 = arith.muli %add3A_176, %mul3A_177 : i32
        %dma_start3A_179 = tpu.memref_slice %arg4[%add3A, %mul3A_178] : memref<32x10240xf32, #tpu.memory_space<hbm>> -> memref<1x64xf32, #tpu.memory_space<hbm>>
        %dma_start3A_180 = tpu.memref_squeeze %dma_start3A_179 : memref<1x64xf32, #tpu.memory_space<hbm>> -> memref<64xf32, #tpu.memory_space<hbm>>
        %dma_start3A_181 = tpu.memref_slice %arg4[%add3A, %mul3A_178] : memref<32x10240xf32, #tpu.memory_space<hbm>> -> memref<1x64xf32, #tpu.memory_space<hbm>>
        %dma_start3A_182 = tpu.memref_squeeze %dma_start3A_181 : memref<1x64xf32, #tpu.memory_space<hbm>> -> memref<64xf32, #tpu.memory_space<hbm>>
        tpu.enqueue_dma source(%dma_start3A_182 : memref<64xf32, #tpu.memory_space<hbm>>) target(%arg9 : memref<64xf32, #tpu.memory_space<vmem>>) target_semaphore(%arg16 : memref<!tpu.dma_semaphore, #tpu.memory_space<semaphore_mem>>)
      } else {
      }
      %scan3A_156 = arith.constant 0 : i32
      %scan3A_157 = arith.constant 64 : i32
      %scan3A_158 = arith.addi %scan3A_156, %scan3A_157 : i32
      %scan3A_159 = arith.constant 2 : i32
      scf.for %scan3A_167 = %scan3A_156 to %scan3A_158 step %scan3A_159  : i32 {
        %mul3A_168 = arith.constant 1 : i32
        %mul3A_169 = arith.muli %scan3A_167, %mul3A_168 : i32
        %add3A_170 = arith.constant 0 : i32
        %add3A_171 = arith.addi %add3A_170, %mul3A_169 : i32
        %broadcast_in_dim3A_172 = vector.broadcast %add3A_171 : i32 to vector<16xi32>
        %gather3A = tpu.vector_load_idx %arg10[%broadcast_in_dim3A_172] : memref<64xf32, #tpu.memory_space<vmem>>[vector<16xi32>], vector<16xf32>,
        %get3A = arith.index_cast %add3A_171 : i32 to index
        %get3A_173 = arith.constant 0 : index
        %get3A_174 = tpu.vector_load %arg12[%get3A, %get3A_173] {strides = array<i32>} : memref<64x128xbf16, #tpu.memory_space<vmem>>, vector<32xbf16>,
        %unpack3A = tpu.unpack_subelements %get3A_174, 0 {pack_format = #tpu.pack_format<interleaved>} : vector<32xbf16> -> vector<16xf32>
        %unpack3A_175 = tpu.unpack_subelements %get3A_174, 1 {pack_format = #tpu.pack_format<interleaved>} : vector<32xbf16> -> vector<16xf32>
        %swap3A = arith.index_cast %add3A_171 : i32 to index
        %swap3A_176 = arith.constant 0 : index
        %swap3A_177 = tpu.vector_load %arg14[%swap3A, %swap3A_176] {strides = array<i32>} : memref<64x128xf32, #tpu.memory_space<vmem>>, vector<16xf32>,
        tpu.vector_store %arg14[%swap3A, %swap3A_176], %unpack3A {strides = array<i32>} : memref<64x128xf32, #tpu.memory_space<vmem>>, vector<16xf32>,
        %swap3A_178 = arith.index_cast %add3A_171 : i32 to index
        %swap3A_179 = arith.constant 16 : index
        %swap3A_180 = tpu.vector_load %arg14[%swap3A_178, %swap3A_179] {strides = array<i32>} : memref<64x128xf32, #tpu.memory_space<vmem>>, vector<16xf32>,
        tpu.vector_store %arg14[%swap3A_178, %swap3A_179], %unpack3A_175 {strides = array<i32>} : memref<64x128xf32, #tpu.memory_space<vmem>>, vector<16xf32>,
        %get3A_181 = arith.index_cast %add3A_171 : i32 to index
        %get3A_182 = arith.constant 32 : index
        %get3A_183 = tpu.vector_load %arg12[%get3A_181, %get3A_182] {strides = array<i32>} : memref<64x128xbf16, #tpu.memory_space<vmem>>, vector<32xbf16>,
        %unpack3A_184 = tpu.unpack_subelements %get3A_183, 0 {pack_format = #tpu.pack_format<interleaved>} : vector<32xbf16> -> vector<16xf32>
        %unpack3A_185 = tpu.unpack_subelements %get3A_183, 1 {pack_format = #tpu.pack_format<interleaved>} : vector<32xbf16> -> vector<16xf32>
        %swap3A_186 = arith.index_cast %add3A_171 : i32 to index
        %swap3A_187 = arith.constant 32 : index
        %swap3A_188 = tpu.vector_load %arg14[%swap3A_186, %swap3A_187] {strides = array<i32>} : memref<64x128xf32, #tpu.memory_space<vmem>>, vector<16xf32>,
        tpu.vector_store %arg14[%swap3A_186, %swap3A_187], %unpack3A_184 {strides = array<i32>} : memref<64x128xf32, #tpu.memory_space<vmem>>, vector<16xf32>,
        %swap3A_189 = arith.index_cast %add3A_171 : i32 to index
        %swap3A_190 = arith.constant 48 : index
        %swap3A_191 = tpu.vector_load %arg14[%swap3A_189, %swap3A_190] {strides = array<i32>} : memref<64x128xf32, #tpu.memory_space<vmem>>, vector<16xf32>,
        tpu.vector_store %arg14[%swap3A_189, %swap3A_190], %unpack3A_185 {strides = array<i32>} : memref<64x128xf32, #tpu.memory_space<vmem>>, vector<16xf32>,
        %get3A_192 = arith.index_cast %add3A_171 : i32 to index
        %get3A_193 = arith.constant 64 : index
        %get3A_194 = tpu.vector_load %arg12[%get3A_192, %get3A_193] {strides = array<i32>} : memref<64x128xbf16, #tpu.memory_space<vmem>>, vector<32xbf16>,
        %unpack3A_195 = tpu.unpack_subelements %get3A_194, 0 {pack_format = #tpu.pack_format<interleaved>} : vector<32xbf16> -> vector<16xf32>
        %unpack3A_196 = tpu.unpack_subelements %get3A_194, 1 {pack_format = #tpu.pack_format<interleaved>} : vector<32xbf16> -> vector<16xf32>
        %mul3A_197 = arith.mulf %unpack3A_195, %gather3A : vector<16xf32>
        %mul3A_198 = arith.mulf %unpack3A_196, %gather3A : vector<16xf32>
        %swap3A_199 = arith.index_cast %add3A_171 : i32 to index
        %swap3A_200 = arith.constant 64 : index
        %swap3A_201 = tpu.vector_load %arg14[%swap3A_199, %swap3A_200] {strides = array<i32>} : memref<64x128xf32, #tpu.memory_space<vmem>>, vector<16xf32>,
        tpu.vector_store %arg14[%swap3A_199, %swap3A_200], %mul3A_197 {strides = array<i32>} : memref<64x128xf32, #tpu.memory_space<vmem>>, vector<16xf32>,
        %swap3A_202 = arith.index_cast %add3A_171 : i32 to index
        %swap3A_203 = arith.constant 80 : index
        %swap3A_204 = tpu.vector_load %arg14[%swap3A_202, %swap3A_203] {strides = array<i32>} : memref<64x128xf32, #tpu.memory_space<vmem>>, vector<16xf32>,
        tpu.vector_store %arg14[%swap3A_202, %swap3A_203], %mul3A_198 {strides = array<i32>} : memref<64x128xf32, #tpu.memory_space<vmem>>, vector<16xf32>,
        %get3A_205 = arith.index_cast %add3A_171 : i32 to index
        %get3A_206 = arith.constant 96 : index
        %get3A_207 = tpu.vector_load %arg12[%get3A_205, %get3A_206] {strides = array<i32>} : memref<64x128xbf16, #tpu.memory_space<vmem>>, vector<32xbf16>,
        %unpack3A_208 = tpu.unpack_subelements %get3A_207, 0 {pack_format = #tpu.pack_format<interleaved>} : vector<32xbf16> -> vector<16xf32>
        %unpack3A_209 = tpu.unpack_subelements %get3A_207, 1 {pack_format = #tpu.pack_format<interleaved>} : vector<32xbf16> -> vector<16xf32>
        %mul3A_210 = arith.mulf %unpack3A_208, %gather3A : vector<16xf32>
        %mul3A_211 = arith.mulf %unpack3A_209, %gather3A : vector<16xf32>
        %swap3A_212 = arith.index_cast %add3A_171 : i32 to index
        %swap3A_213 = arith.constant 96 : index
        %swap3A_214 = tpu.vector_load %arg14[%swap3A_212, %swap3A_213] {strides = array<i32>} : memref<64x128xf32, #tpu.memory_space<vmem>>, vector<16xf32>,
        tpu.vector_store %arg14[%swap3A_212, %swap3A_213], %mul3A_210 {strides = array<i32>} : memref<64x128xf32, #tpu.memory_space<vmem>>, vector<16xf32>,
        %swap3A_215 = arith.index_cast %add3A_171 : i32 to index
        %swap3A_216 = arith.constant 112 : index
        %swap3A_217 = tpu.vector_load %arg14[%swap3A_215, %swap3A_216] {strides = array<i32>} : memref<64x128xf32, #tpu.memory_space<vmem>>, vector<16xf32>,
        tpu.vector_store %arg14[%swap3A_215, %swap3A_216], %mul3A_211 {strides = array<i32>} : memref<64x128xf32, #tpu.memory_space<vmem>>, vector<16xf32>,
        %scan3A_218 = arith.constant 1 : i32
        %scan3A_219 = arith.addi %scan3A_167, %scan3A_218 : i32
        %mul3A_220 = arith.constant 1 : i32
        %mul3A_221 = arith.muli %scan3A_219, %mul3A_220 : i32
        %add3A_222 = arith.constant 0 : i32
        %add3A_223 = arith.addi %add3A_222, %mul3A_221 : i32
        %broadcast_in_dim3A_224 = vector.broadcast %add3A_223 : i32 to vector<16xi32>
        %gather3A_225 = tpu.vector_load_idx %arg10[%broadcast_in_dim3A_224] : memref<64xf32, #tpu.memory_space<vmem>>[vector<16xi32>], vector<16xf32>,
        %get3A_226 = arith.index_cast %add3A_223 : i32 to index
        %get3A_227 = arith.constant 0 : index
        %get3A_228 = tpu.vector_load %arg12[%get3A_226, %get3A_227] {strides = array<i32>} : memref<64x128xbf16, #tpu.memory_space<vmem>>, vector<32xbf16>,
        %unpack3A_229 = tpu.unpack_subelements %get3A_228, 0 {pack_format = #tpu.pack_format<interleaved>} : vector<32xbf16> -> vector<16xf32>
        %unpack3A_230 = tpu.unpack_subelements %get3A_228, 1 {pack_format = #tpu.pack_format<interleaved>} : vector<32xbf16> -> vector<16xf32>
        %swap3A_231 = arith.index_cast %add3A_223 : i32 to index
        %swap3A_232 = arith.constant 0 : index
        %swap3A_233 = tpu.vector_load %arg14[%swap3A_231, %swap3A_232] {strides = array<i32>} : memref<64x128xf32, #tpu.memory_space<vmem>>, vector<16xf32>,
        tpu.vector_store %arg14[%swap3A_231, %swap3A_232], %unpack3A_229 {strides = array<i32>} : memref<64x128xf32, #tpu.memory_space<vmem>>, vector<16xf32>,
        %swap3A_234 = arith.index_cast %add3A_223 : i32 to index
        %swap3A_235 = arith.constant 16 : index
        %swap3A_236 = tpu.vector_load %arg14[%swap3A_234, %swap3A_235] {strides = array<i32>} : memref<64x128xf32, #tpu.memory_space<vmem>>, vector<16xf32>,
        tpu.vector_store %arg14[%swap3A_234, %swap3A_235], %unpack3A_230 {strides = array<i32>} : memref<64x128xf32, #tpu.memory_space<vmem>>, vector<16xf32>,
        %get3A_237 = arith.index_cast %add3A_223 : i32 to index
        %get3A_238 = arith.constant 32 : index
        %get3A_239 = tpu.vector_load %arg12[%get3A_237, %get3A_238] {strides = array<i32>} : memref<64x128xbf16, #tpu.memory_space<vmem>>, vector<32xbf16>,
        %unpack3A_240 = tpu.unpack_subelements %get3A_239, 0 {pack_format = #tpu.pack_format<interleaved>} : vector<32xbf16> -> vector<16xf32>
        %unpack3A_241 = tpu.unpack_subelements %get3A_239, 1 {pack_format = #tpu.pack_format<interleaved>} : vector<32xbf16> -> vector<16xf32>
        %swap3A_242 = arith.index_cast %add3A_223 : i32 to index
        %swap3A_243 = arith.constant 32 : index
        %swap3A_244 = tpu.vector_load %arg14[%swap3A_242, %swap3A_243] {strides = array<i32>} : memref<64x128xf32, #tpu.memory_space<vmem>>, vector<16xf32>,
        tpu.vector_store %arg14[%swap3A_242, %swap3A_243], %unpack3A_240 {strides = array<i32>} : memref<64x128xf32, #tpu.memory_space<vmem>>, vector<16xf32>,
        %swap3A_245 = arith.index_cast %add3A_223 : i32 to index
        %swap3A_246 = arith.constant 48 : index
        %swap3A_247 = tpu.vector_load %arg14[%swap3A_245, %swap3A_246] {strides = array<i32>} : memref<64x128xf32, #tpu.memory_space<vmem>>, vector<16xf32>,
        tpu.vector_store %arg14[%swap3A_245, %swap3A_246], %unpack3A_241 {strides = array<i32>} : memref<64x128xf32, #tpu.memory_space<vmem>>, vector<16xf32>,
        %get3A_248 = arith.index_cast %add3A_223 : i32 to index
        %get3A_249 = arith.constant 64 : index
        %get3A_250 = tpu.vector_load %arg12[%get3A_248, %get3A_249] {strides = array<i32>} : memref<64x128xbf16, #tpu.memory_space<vmem>>, vector<32xbf16>,
        %unpack3A_251 = tpu.unpack_subelements %get3A_250, 0 {pack_format = #tpu.pack_format<interleaved>} : vector<32xbf16> -> vector<16xf32>
        %unpack3A_252 = tpu.unpack_subelements %get3A_250, 1 {pack_format = #tpu.pack_format<interleaved>} : vector<32xbf16> -> vector<16xf32>
        %mul3A_253 = arith.mulf %unpack3A_251, %gather3A_225 : vector<16xf32>
        %mul3A_254 = arith.mulf %unpack3A_252, %gather3A_225 : vector<16xf32>
        %swap3A_255 = arith.index_cast %add3A_223 : i32 to index
        %swap3A_256 = arith.constant 64 : index
        %swap3A_257 = tpu.vector_load %arg14[%swap3A_255, %swap3A_256] {strides = array<i32>} : memref<64x128xf32, #tpu.memory_space<vmem>>, vector<16xf32>,
        tpu.vector_store %arg14[%swap3A_255, %swap3A_256], %mul3A_253 {strides = array<i32>} : memref<64x128xf32, #tpu.memory_space<vmem>>, vector<16xf32>,
        %swap3A_258 = arith.index_cast %add3A_223 : i32 to index
        %swap3A_259 = arith.constant 80 : index
        %swap3A_260 = tpu.vector_load %arg14[%swap3A_258, %swap3A_259] {strides = array<i32>} : memref<64x128xf32, #tpu.memory_space<vmem>>, vector<16xf32>,
        tpu.vector_store %arg14[%swap3A_258, %swap3A_259], %mul3A_254 {strides = array<i32>} : memref<64x128xf32, #tpu.memory_space<vmem>>, vector<16xf32>,
        %get3A_261 = arith.index_cast %add3A_223 : i32 to index
        %get3A_262 = arith.constant 96 : index
        %get3A_263 = tpu.vector_load %arg12[%get3A_261, %get3A_262] {strides = array<i32>} : memref<64x128xbf16, #tpu.memory_space<vmem>>, vector<32xbf16>,
        %unpack3A_264 = tpu.unpack_subelements %get3A_263, 0 {pack_format = #tpu.pack_format<interleaved>} : vector<32xbf16> -> vector<16xf32>
        %unpack3A_265 = tpu.unpack_subelements %get3A_263, 1 {pack_format = #tpu.pack_format<interleaved>} : vector<32xbf16> -> vector<16xf32>
        %mul3A_266 = arith.mulf %unpack3A_264, %gather3A_225 : vector<16xf32>
        %mul3A_267 = arith.mulf %unpack3A_265, %gather3A_225 : vector<16xf32>
        %swap3A_268 = arith.index_cast %add3A_223 : i32 to index
        %swap3A_269 = arith.constant 96 : index
        %swap3A_270 = tpu.vector_load %arg14[%swap3A_268, %swap3A_269] {strides = array<i32>} : memref<64x128xf32, #tpu.memory_space<vmem>>, vector<16xf32>,
        tpu.vector_store %arg14[%swap3A_268, %swap3A_269], %mul3A_266 {strides = array<i32>} : memref<64x128xf32, #tpu.memory_space<vmem>>, vector<16xf32>,
        %swap3A_271 = arith.index_cast %add3A_223 : i32 to index
        %swap3A_272 = arith.constant 112 : index
        %swap3A_273 = tpu.vector_load %arg14[%swap3A_271, %swap3A_272] {strides = array<i32>} : memref<64x128xf32, #tpu.memory_space<vmem>>, vector<16xf32>,
        tpu.vector_store %arg14[%swap3A_271, %swap3A_272], %mul3A_267 {strides = array<i32>} : memref<64x128xf32, #tpu.memory_space<vmem>>, vector<16xf32>,
      }
      %scan3A_160 = arith.constant 64 : i32
      %dma_start3A_161 = arith.constant 0 : i32
      %dma_start3A_162 = tpu.memref_slice %arg8[%add3A_126, %dma_start3A_161] : memref<160x64xi32, #tpu.memory_space<vmem>> -> memref<1x64xi32, #tpu.memory_space<vmem>>
      %dma_start3A_163 = tpu.memref_squeeze %dma_start3A_162 : memref<1x64xi32, #tpu.memory_space<vmem>> -> memref<64xi32, #tpu.memory_space<vmem>>
      %dma_start3A_164 = arith.constant 0 : i32
      %dma_start3A_165 = arith.constant 0 : i32
      %dma_start3A_166 = tpu.memref_slice %arg15[%dma_start3A_164, %dma_start3A_165] : memref<10240x128xf32, #tpu.memory_space<vmem_shared>> -> memref<10240x128xf32, #tpu.memory_space<vmem_shared>>
      tpu.enqueue_indirect_dma source(%arg14 : memref<64x128xf32, #tpu.memory_space<vmem>>) target(%dma_start3A_166 : memref<10240x128xf32, #tpu.memory_space<vmem_shared>>) offsets(%dma_start3A_163 : memref<64xi32, #tpu.memory_space<vmem>>) semaphore(%arg19 : memref<!tpu.dma_semaphore, #tpu.memory_space<semaphore_mem>>) {add = true}
    }
    %scan3A_64 = arith.constant 80 : i32
    %dma_wait3A = arith.constant 158 : i32
    %dma_wait3A_65 = arith.constant 0 : i32
    %dma_wait3A_66 = tpu.memref_slice %arg8[%dma_wait3A, %dma_wait3A_65] : memref<160x64xi32, #tpu.memory_space<vmem>> -> memref<1x64xi32, #tpu.memory_space<vmem>>
    %dma_wait3A_67 = tpu.memref_squeeze %dma_wait3A_66 : memref<1x64xi32, #tpu.memory_space<vmem>> -> memref<64xi32, #tpu.memory_space<vmem>>
    %dma_wait3A_68 = arith.constant 0 : i32
    %dma_wait3A_69 = arith.constant 0 : i32
    %dma_wait3A_70 = tpu.memref_slice %arg15[%dma_wait3A_68, %dma_wait3A_69] : memref<10240x128xf32, #tpu.memory_space<vmem_shared>> -> memref<10240x128xf32, #tpu.memory_space<vmem_shared>>
    tpu.wait_indirect_dma semaphore(%arg18 : memref<!tpu.dma_semaphore, #tpu.memory_space<semaphore_mem>>) src(%arg13 : memref<64x128xf32, #tpu.memory_space<vmem>>) dst(%dma_wait3A_70 : memref<10240x128xf32, #tpu.memory_space<vmem_shared>>)
    %dma_wait3A_71 = arith.constant 159 : i32
    %dma_wait3A_72 = arith.constant 0 : i32
    %dma_wait3A_73 = tpu.memref_slice %arg8[%dma_wait3A_71, %dma_wait3A_72] : memref<160x64xi32, #tpu.memory_space<vmem>> -> memref<1x64xi32, #tpu.memory_space<vmem>>
    %dma_wait3A_74 = tpu.memref_squeeze %dma_wait3A_73 : memref<1x64xi32, #tpu.memory_space<vmem>> -> memref<64xi32, #tpu.memory_space<vmem>>
    %dma_wait3A_75 = arith.constant 0 : i32
    %dma_wait3A_76 = arith.constant 0 : i32
    %dma_wait3A_77 = tpu.memref_slice %arg15[%dma_wait3A_75, %dma_wait3A_76] : memref<10240x128xf32, #tpu.memory_space<vmem_shared>> -> memref<10240x128xf32, #tpu.memory_space<vmem_shared>>
    tpu.wait_indirect_dma semaphore(%arg19 : memref<!tpu.dma_semaphore, #tpu.memory_space<semaphore_mem>>) src(%arg14 : memref<64x128xf32, #tpu.memory_space<vmem>>) dst(%dma_wait3A_77 : memref<10240x128xf32, #tpu.memory_space<vmem_shared>>)
    %barrier3A_78 = arith.constant 0 : index
    tpu.barrier barrier_id(%barrier3A_78)
    "tpu.region"() ({
      %run_scoped3A = tpu.sem_alloc : memref<!tpu.dma_semaphore, #tpu.memory_space<semaphore_mem>>
      %dma_start3A_79 = arith.constant 0 : i32
      %dma_start3A_80 = tpu.memref_slice %arg6[%arg0, %mul3A_2, %dma_start3A_79] : memref<2x10240x128xf32, #tpu.memory_space<hbm>> -> memref<1x640x128xf32, #tpu.memory_space<hbm>>
      %dma_start3A_81 = tpu.memref_squeeze %dma_start3A_80 : memref<1x640x128xf32, #tpu.memory_space<hbm>> -> memref<640x128xf32, #tpu.memory_space<hbm>>
      %dma_start3A_82 = arith.constant 0 : i32
      %dma_start3A_83 = tpu.memref_slice %arg15[%mul3A_2, %dma_start3A_82] : memref<10240x128xf32, #tpu.memory_space<vmem_shared>> -> memref<640x128xf32, #tpu.memory_space<vmem_shared>>
      tpu.enqueue_dma source(%dma_start3A_83 : memref<640x128xf32, #tpu.memory_space<vmem_shared>>) target(%dma_start3A_81 : memref<640x128xf32, #tpu.memory_space<hbm>>) target_semaphore(%run_scoped3A : memref<!tpu.dma_semaphore, #tpu.memory_space<semaphore_mem>>)
      %dma_wait3A_84 = arith.constant 0 : i32
      %dma_wait3A_85 = tpu.memref_slice %arg6[%arg0, %mul3A_2, %dma_wait3A_84] : memref<2x10240x128xf32, #tpu.memory_space<hbm>> -> memref<1x640x128xf32, #tpu.memory_space<hbm>>
      %dma_wait3A_86 = tpu.memref_squeeze %dma_wait3A_85 : memref<1x640x128xf32, #tpu.memory_space<hbm>> -> memref<640x128xf32, #tpu.memory_space<hbm>>
      %dma_wait3A_87 = arith.constant 0 : i32
      %dma_wait3A_88 = tpu.memref_slice %arg15[%mul3A_2, %dma_wait3A_87] : memref<10240x128xf32, #tpu.memory_space<vmem_shared>> -> memref<640x128xf32, #tpu.memory_space<vmem_shared>>
      tpu.wait_dma2 semaphore(%run_scoped3A : memref<!tpu.dma_semaphore, #tpu.memory_space<semaphore_mem>>) src(%dma_wait3A_88 : memref<640x128xf32, #tpu.memory_space<vmem_shared>>) dst(%dma_wait3A_86 : memref<640x128xf32, #tpu.memory_space<hbm>>)
      tpu.yield
    }) : () -> ()
    return
  }
}

module attributes {stable_mosaic.version = 14 : i64} {
  func.func @_prep_body(%arg0: memref<10240x128xf32, #tpu.memory_space<vmem>>, %arg1: memref<128x128xf32, #tpu.memory_space<vmem>>, %arg2: memref<128x64xf32, #tpu.memory_space<vmem>>, %arg3: memref<128x128xf32, #tpu.memory_space<vmem>>, %arg4: memref<128x64xf32, #tpu.memory_space<vmem>>, %arg5: memref<128x2xf32, #tpu.memory_space<vmem>>, %arg6: memref<10240x128xf32, #tpu.memory_space<vmem>>, %arg7: memref<2x10240xf32, #tpu.memory_space<vmem>>) attributes {dimension_semantics = [], scalar_prefetch = 0 : i64, scratch_operands = 0 : i64, tpu.core_type = #tpu.core_type<tc>} {
    %get3A = arith.constant 0 : index
    %get3A_0 = arith.constant 0 : index
    %get3A_1 = vector.load %arg0[%get3A, %get3A_0] : memref<10240x128xf32, #tpu.memory_space<vmem>>, vector<10240x128xf32>
    %get3A_2 = arith.constant 0 : index
    %get3A_3 = arith.constant 0 : index
    %get3A_4 = vector.load %arg1[%get3A_2, %get3A_3] : memref<128x128xf32, #tpu.memory_space<vmem>>, vector<128x128xf32>
    %get3A_5 = arith.constant 0 : index
    %get3A_6 = arith.constant 0 : index
    %get3A_7 = vector.load %arg2[%get3A_5, %get3A_6] : memref<128x64xf32, #tpu.memory_space<vmem>>, vector<128x64xf32>
    %dot_general3A = arith.constant dense<0.000000e+00> : vector<128x64xf32>
    %dot_general3A_8 = tpu.matmul %get3A_4, %get3A_7, %dot_general3A {dimension_numbers = #tpu.dot_dimension_numbers<[1], [0], [0], [1], [0, 0, 1, 1], [], []>, precision = #tpu.contract_precision<fp32>, transpose_lhs_hint = false} : vector<128x128xf32>, vector<128x64xf32>, vector<128x64xf32> -> vector<128x64xf32>
    %get3A_9 = arith.constant 0 : index
    %get3A_10 = arith.constant 0 : index
    %get3A_11 = vector.load %arg3[%get3A_9, %get3A_10] : memref<128x128xf32, #tpu.memory_space<vmem>>, vector<128x128xf32>
    %get3A_12 = arith.constant 0 : index
    %get3A_13 = arith.constant 0 : index
    %get3A_14 = vector.load %arg4[%get3A_12, %get3A_13] : memref<128x64xf32, #tpu.memory_space<vmem>>, vector<128x64xf32>
    %dot_general3A_15 = arith.constant dense<0.000000e+00> : vector<128x64xf32>
    %dot_general3A_16 = tpu.matmul %get3A_11, %get3A_14, %dot_general3A_15 {dimension_numbers = #tpu.dot_dimension_numbers<[1], [0], [0], [1], [0, 0, 1, 1], [], []>, precision = #tpu.contract_precision<fp32>, transpose_lhs_hint = false} : vector<128x128xf32>, vector<128x64xf32>, vector<128x64xf32> -> vector<128x64xf32>
    %dot_general3A_17 = arith.constant dense<0.000000e+00> : vector<10240x64xf32>
    %dot_general3A_18 = tpu.matmul %get3A_1, %dot_general3A_8, %dot_general3A_17 {dimension_numbers = #tpu.dot_dimension_numbers<[1], [0], [0], [1], [0, 0, 1, 1], [], []>, precision = #tpu.contract_precision<fp32>, transpose_lhs_hint = false} : vector<10240x128xf32>, vector<128x64xf32>, vector<10240x64xf32> -> vector<10240x64xf32>
    %dot_general3A_19 = arith.constant dense<0.000000e+00> : vector<10240x64xf32>
    %dot_general3A_20 = tpu.matmul %get3A_1, %dot_general3A_16, %dot_general3A_19 {dimension_numbers = #tpu.dot_dimension_numbers<[1], [0], [0], [1], [0, 0, 1, 1], [], []>, precision = #tpu.contract_precision<fp32>, transpose_lhs_hint = false} : vector<10240x128xf32>, vector<128x64xf32>, vector<10240x64xf32> -> vector<10240x64xf32>
    %concatenate3A = tpu.concatenate %dot_general3A_18, %dot_general3A_20 in 1 : vector<10240x64xf32>, vector<10240x64xf32> -> vector<10240x128xf32>
    %swap3A = arith.constant 0 : index
    %swap3A_21 = arith.constant 0 : index
    %swap3A_22 = vector.load %arg6[%swap3A, %swap3A_21] : memref<10240x128xf32, #tpu.memory_space<vmem>>, vector<10240x128xf32>
    tpu.vector_store %arg6[%swap3A, %swap3A_21], %concatenate3A {strides = array<i32>} : memref<10240x128xf32, #tpu.memory_space<vmem>>, vector<10240x128xf32>,
    %get3A_23 = arith.constant 0 : index
    %get3A_24 = arith.constant 0 : index
    %get3A_25 = vector.load %arg3[%get3A_23, %get3A_24] : memref<128x128xf32, #tpu.memory_space<vmem>>, vector<128x128xf32>
    %get3A_26 = arith.constant 0 : index
    %get3A_27 = arith.constant 0 : index
    %get3A_28 = vector.load %arg5[%get3A_26, %get3A_27] : memref<128x2xf32, #tpu.memory_space<vmem>>, vector<128x2xf32>
    %dot_general3A_29 = arith.constant dense<0.000000e+00> : vector<128x2xf32>
    %dot_general3A_30 = tpu.matmul %get3A_25, %get3A_28, %dot_general3A_29 {dimension_numbers = #tpu.dot_dimension_numbers<[1], [0], [0], [1], [0, 0, 1, 1], [], []>, precision = #tpu.contract_precision<fp32>, transpose_lhs_hint = false} : vector<128x128xf32>, vector<128x2xf32>, vector<128x2xf32> -> vector<128x2xf32>
    %dot_general3A_31 = arith.constant dense<0.000000e+00> : vector<2x10240xf32>
    %dot_general3A_32 = tpu.matmul %dot_general3A_30, %get3A_1, %dot_general3A_31 {dimension_numbers = #tpu.dot_dimension_numbers<[0], [1], [1], [0], [0, 1, 1, 0], [], []>, precision = #tpu.contract_precision<fp32>, transpose_lhs_hint = false} : vector<128x2xf32>, vector<10240x128xf32>, vector<2x10240xf32> -> vector<2x10240xf32>
    %swap3A_33 = arith.constant 0 : index
    %swap3A_34 = arith.constant 0 : index
    %swap3A_35 = vector.load %arg7[%swap3A_33, %swap3A_34] : memref<2x10240xf32, #tpu.memory_space<vmem>>, vector<2x10240xf32>
    tpu.vector_store %arg7[%swap3A_33, %swap3A_34], %dot_general3A_32 {strides = array<i32>} : memref<2x10240xf32, #tpu.memory_space<vmem>>, vector<2x10240xf32>,
    return
  }
}

module attributes {stable_mosaic.version = 14 : i64} {
  func.func @_mid_body(%arg0: memref<2x10240xf32, #tpu.memory_space<vmem>>, %arg1: memref<2x10240xf32, #tpu.memory_space<vmem>>, %arg2: memref<2x10240xf32, #tpu.memory_space<vmem>>, %arg3: memref<10240x128xf32, #tpu.memory_space<vmem>>, %arg4: memref<128x128xf32, #tpu.memory_space<vmem>>, %arg5: memref<4x10240xf32, #tpu.memory_space<vmem>>, %arg6: memref<10240x128xbf16, #tpu.memory_space<vmem>>) attributes {dimension_semantics = [], scalar_prefetch = 0 : i64, scratch_operands = 0 : i64, tpu.core_type = #tpu.core_type<tc>} {
    %get3A = arith.constant 0 : index
    %get3A_0 = arith.constant 0 : index
    %get3A_1 = vector.load %arg0[%get3A, %get3A_0] : memref<2x10240xf32, #tpu.memory_space<vmem>>, vector<1x10240xf32>
    %get3A_2 = vector.shape_cast %get3A_1 : vector<1x10240xf32> to vector<10240xf32>
    %get3A_3 = arith.constant 1 : index
    %get3A_4 = arith.constant 0 : index
    %get3A_5 = vector.load %arg0[%get3A_3, %get3A_4] : memref<2x10240xf32, #tpu.memory_space<vmem>>, vector<1x10240xf32>
    %get3A_6 = vector.shape_cast %get3A_5 : vector<1x10240xf32> to vector<10240xf32>
    %add3A = arith.addf %get3A_2, %get3A_6 : vector<10240xf32>
    %add3A_7 = arith.constant 1.000000e+00 : f32
    %add3A_8 = vector.broadcast %add3A_7 : f32 to vector<10240xf32>
    %add3A_9 = arith.addf %add3A, %add3A_8 : vector<10240xf32>
    %get3A_10 = arith.constant 0 : index
    %get3A_11 = arith.constant 0 : index
    %get3A_12 = vector.load %arg2[%get3A_10, %get3A_11] : memref<2x10240xf32, #tpu.memory_space<vmem>>, vector<1x10240xf32>
    %get3A_13 = vector.shape_cast %get3A_12 : vector<1x10240xf32> to vector<10240xf32>
    %get3A_14 = arith.constant 1 : index
    %get3A_15 = arith.constant 0 : index
    %get3A_16 = vector.load %arg2[%get3A_14, %get3A_15] : memref<2x10240xf32, #tpu.memory_space<vmem>>, vector<1x10240xf32>
    %get3A_17 = vector.shape_cast %get3A_16 : vector<1x10240xf32> to vector<10240xf32>
    %add3A_18 = arith.addf %get3A_13, %get3A_17 : vector<10240xf32>
    %mul3A = arith.constant 2.000000e-01 : f32
    %mul3A_19 = vector.broadcast %mul3A : f32 to vector<10240xf32>
    %mul3A_20 = arith.mulf %mul3A_19, %add3A_18 : vector<10240xf32>
    %max3A = arith.maximumf %add3A_18, %mul3A_20 : vector<10240xf32>
    %exp3A = math.exp %max3A : vector<10240xf32>
    %get3A_21 = arith.constant 0 : index
    %get3A_22 = arith.constant 0 : index
    %get3A_23 = vector.load %arg1[%get3A_21, %get3A_22] : memref<2x10240xf32, #tpu.memory_space<vmem>>, vector<1x10240xf32>
    %get3A_24 = vector.shape_cast %get3A_23 : vector<1x10240xf32> to vector<10240xf32>
    %get3A_25 = arith.constant 1 : index
    %get3A_26 = arith.constant 0 : index
    %get3A_27 = vector.load %arg1[%get3A_25, %get3A_26] : memref<2x10240xf32, #tpu.memory_space<vmem>>, vector<1x10240xf32>
    %get3A_28 = vector.shape_cast %get3A_27 : vector<1x10240xf32> to vector<10240xf32>
    %add3A_29 = arith.addf %get3A_24, %get3A_28 : vector<10240xf32>
    %add3A_30 = arith.addf %add3A_29, %exp3A : vector<10240xf32>
    %rsqrt3A = math.rsqrt %add3A_9 : vector<10240xf32>
    %div3A = arith.constant 1.000000e+00 : f32
    %div3A_31 = vector.broadcast %div3A : f32 to vector<10240xf32>
    %div3A_32 = arith.divf %div3A_31, %add3A_30 : vector<10240xf32>
    %div3A_33 = arith.constant 1.000000e+00 : f32
    %div3A_34 = vector.broadcast %div3A_33 : f32 to vector<10240xf32>
    %div3A_35 = arith.divf %div3A_34, %add3A_9 : vector<10240xf32>
    %mul3A_36 = arith.mulf %exp3A, %div3A_32 : vector<10240xf32>
    %stack3A = vector.shape_cast %rsqrt3A : vector<10240xf32> to vector<1x10240xf32>
    %stack3A_37 = vector.shape_cast %div3A_32 : vector<10240xf32> to vector<1x10240xf32>
    %stack3A_38 = vector.shape_cast %div3A_35 : vector<10240xf32> to vector<1x10240xf32>
    %stack3A_39 = vector.shape_cast %mul3A_36 : vector<10240xf32> to vector<1x10240xf32>
    %stack3A_40 = tpu.concatenate %stack3A, %stack3A_37, %stack3A_38, %stack3A_39 in 0 : vector<1x10240xf32>, vector<1x10240xf32>, vector<1x10240xf32>, vector<1x10240xf32> -> vector<4x10240xf32>
    %swap3A = arith.constant 0 : index
    %swap3A_41 = arith.constant 0 : index
    %swap3A_42 = vector.load %arg5[%swap3A, %swap3A_41] : memref<4x10240xf32, #tpu.memory_space<vmem>>, vector<4x10240xf32>
    tpu.vector_store %arg5[%swap3A, %swap3A_41], %stack3A_40 {strides = array<i32>} : memref<4x10240xf32, #tpu.memory_space<vmem>>, vector<4x10240xf32>,
    %get3A_43 = arith.constant 0 : index
    %get3A_44 = arith.constant 0 : index
    %get3A_45 = vector.load %arg3[%get3A_43, %get3A_44] : memref<10240x128xf32, #tpu.memory_space<vmem>>, vector<10240x128xf32>
    %slice3A = vector.extract_strided_slice %get3A_45 {offsets = [0, 0], sizes = [10240, 64], strides = [1, 1]} : vector<10240x128xf32> to vector<10240x64xf32>
    %broadcast_in_dim3A = vector.shape_cast %rsqrt3A : vector<10240xf32> to vector<10240x1xf32>
    %mul3A_46 = vector.broadcast %broadcast_in_dim3A : vector<10240x1xf32> to vector<10240x64xf32>
    %mul3A_47 = arith.mulf %slice3A, %mul3A_46 : vector<10240x64xf32>
    %slice3A_48 = vector.extract_strided_slice %get3A_45 {offsets = [0, 64], sizes = [10240, 64], strides = [1, 1]} : vector<10240x128xf32> to vector<10240x64xf32>
    %concatenate3A = tpu.concatenate %mul3A_47, %slice3A_48 in 1 : vector<10240x64xf32>, vector<10240x64xf32> -> vector<10240x128xf32>
    %get3A_49 = arith.constant 0 : index
    %get3A_50 = arith.constant 0 : index
    %get3A_51 = vector.load %arg4[%get3A_49, %get3A_50] : memref<128x128xf32, #tpu.memory_space<vmem>>, vector<128x128xf32>
    %dot_general3A = arith.constant dense<0.000000e+00> : vector<10240x128xf32>
    %dot_general3A_52 = tpu.matmul %concatenate3A, %get3A_51, %dot_general3A {dimension_numbers = #tpu.dot_dimension_numbers<[1], [0], [0], [1], [0, 0, 1, 1], [], []>, precision = #tpu.contract_precision<fp32>, transpose_lhs_hint = false} : vector<10240x128xf32>, vector<128x128xf32>, vector<10240x128xf32> -> vector<10240x128xf32>
    %convert_element_type3A = arith.truncf %dot_general3A_52 : vector<10240x128xf32> to vector<10240x128xbf16>
    %swap3A_53 = arith.constant 0 : index
    %swap3A_54 = arith.constant 0 : index
    %swap3A_55 = vector.load %arg6[%swap3A_53, %swap3A_54] : memref<10240x128xbf16, #tpu.memory_space<vmem>>, vector<10240x128xbf16>
    tpu.vector_store %arg6[%swap3A_53, %swap3A_54], %convert_element_type3A {strides = array<i32>} : memref<10240x128xbf16, #tpu.memory_space<vmem>>, vector<10240x128xbf16>,
    return
  }
}

module attributes {stable_mosaic.version = 14 : i64} {
  func.func @_final_body(%arg0: memref<2x10240x128xf32, #tpu.memory_space<vmem>>, %arg1: memref<10240x128xf32, #tpu.memory_space<vmem>>, %arg2: memref<4x10240xf32, #tpu.memory_space<vmem>>, %arg3: memref<2x128xf32, #tpu.memory_space<vmem>>, %arg4: memref<128x64xf32, #tpu.memory_space<vmem>>, %arg5: memref<128x64xf32, #tpu.memory_space<vmem>>, %arg6: memref<10000x64xf32, #tpu.memory_space<vmem>>) attributes {dimension_semantics = [], scalar_prefetch = 0 : i64, scratch_operands = 0 : i64, tpu.core_type = #tpu.core_type<tc>} {
    %get3A = arith.constant 0 : index
    %get3A_0 = arith.constant 0 : index
    %get3A_1 = arith.constant 0 : index
    %get3A_2 = vector.load %arg0[%get3A, %get3A_0, %get3A_1] : memref<2x10240x128xf32, #tpu.memory_space<vmem>>, vector<1x10240x128xf32>
    %get3A_3 = vector.shape_cast %get3A_2 : vector<1x10240x128xf32> to vector<10240x128xf32>
    %get3A_4 = arith.constant 1 : index
    %get3A_5 = arith.constant 0 : index
    %get3A_6 = arith.constant 0 : index
    %get3A_7 = vector.load %arg0[%get3A_4, %get3A_5, %get3A_6] : memref<2x10240x128xf32, #tpu.memory_space<vmem>>, vector<1x10240x128xf32>
    %get3A_8 = vector.shape_cast %get3A_7 : vector<1x10240x128xf32> to vector<10240x128xf32>
    %add3A = arith.addf %get3A_3, %get3A_8 : vector<10240x128xf32>
    %get3A_9 = arith.constant 0 : index
    %get3A_10 = arith.constant 0 : index
    %get3A_11 = vector.load %arg1[%get3A_9, %get3A_10] : memref<10240x128xf32, #tpu.memory_space<vmem>>, vector<10240x128xf32>
    %get3A_12 = arith.constant 0 : index
    %get3A_13 = arith.constant 0 : index
    %get3A_14 = vector.load %arg2[%get3A_12, %get3A_13] : memref<4x10240xf32, #tpu.memory_space<vmem>>, vector<1x10240xf32>
    %get3A_15 = vector.shape_cast %get3A_14 : vector<1x10240xf32> to vector<10240xf32>
    %get3A_16 = arith.constant 1 : index
    %get3A_17 = arith.constant 0 : index
    %get3A_18 = vector.load %arg2[%get3A_16, %get3A_17] : memref<4x10240xf32, #tpu.memory_space<vmem>>, vector<1x10240xf32>
    %get3A_19 = vector.shape_cast %get3A_18 : vector<1x10240xf32> to vector<10240xf32>
    %get3A_20 = arith.constant 2 : index
    %get3A_21 = arith.constant 0 : index
    %get3A_22 = vector.load %arg2[%get3A_20, %get3A_21] : memref<4x10240xf32, #tpu.memory_space<vmem>>, vector<1x10240xf32>
    %get3A_23 = vector.shape_cast %get3A_22 : vector<1x10240xf32> to vector<10240xf32>
    %get3A_24 = arith.constant 3 : index
    %get3A_25 = arith.constant 0 : index
    %get3A_26 = vector.load %arg2[%get3A_24, %get3A_25] : memref<4x10240xf32, #tpu.memory_space<vmem>>, vector<1x10240xf32>
    %get3A_27 = vector.shape_cast %get3A_26 : vector<1x10240xf32> to vector<10240xf32>
    %slice3A = vector.extract_strided_slice %add3A {offsets = [0, 0], sizes = [10240, 64], strides = [1, 1]} : vector<10240x128xf32> to vector<10240x64xf32>
    %broadcast_in_dim3A = vector.shape_cast %get3A_15 : vector<10240xf32> to vector<10240x1xf32>
    %mul3A = vector.broadcast %broadcast_in_dim3A : vector<10240x1xf32> to vector<10240x64xf32>
    %mul3A_28 = arith.mulf %slice3A, %mul3A : vector<10240x64xf32>
    %slice3A_29 = vector.extract_strided_slice %add3A {offsets = [0, 64], sizes = [10240, 64], strides = [1, 1]} : vector<10240x128xf32> to vector<10240x64xf32>
    %broadcast_in_dim3A_30 = vector.shape_cast %get3A_19 : vector<10240xf32> to vector<10240x1xf32>
    %mul3A_31 = vector.broadcast %broadcast_in_dim3A_30 : vector<10240x1xf32> to vector<10240x64xf32>
    %mul3A_32 = arith.mulf %slice3A_29, %mul3A_31 : vector<10240x64xf32>
    %add3A_33 = arith.addf %mul3A_28, %mul3A_32 : vector<10240x64xf32>
    %slice3A_34 = vector.extract_strided_slice %get3A_11 {offsets = [0, 0], sizes = [10240, 64], strides = [1, 1]} : vector<10240x128xf32> to vector<10240x64xf32>
    %broadcast_in_dim3A_35 = vector.shape_cast %get3A_23 : vector<10240xf32> to vector<10240x1xf32>
    %mul3A_36 = vector.broadcast %broadcast_in_dim3A_35 : vector<10240x1xf32> to vector<10240x64xf32>
    %mul3A_37 = arith.mulf %slice3A_34, %mul3A_36 : vector<10240x64xf32>
    %add3A_38 = arith.addf %add3A_33, %mul3A_37 : vector<10240x64xf32>
    %slice3A_39 = vector.extract_strided_slice %get3A_11 {offsets = [0, 64], sizes = [10240, 64], strides = [1, 1]} : vector<10240x128xf32> to vector<10240x64xf32>
    %broadcast_in_dim3A_40 = vector.shape_cast %get3A_27 : vector<10240xf32> to vector<10240x1xf32>
    %mul3A_41 = vector.broadcast %broadcast_in_dim3A_40 : vector<10240x1xf32> to vector<10240x64xf32>
    %mul3A_42 = arith.mulf %slice3A_39, %mul3A_41 : vector<10240x64xf32>
    %add3A_43 = arith.addf %add3A_38, %mul3A_42 : vector<10240x64xf32>
    %get3A_44 = arith.constant 0 : index
    %get3A_45 = arith.constant 0 : index
    %get3A_46 = vector.load %arg3[%get3A_44, %get3A_45] : memref<2x128xf32, #tpu.memory_space<vmem>>, vector<1x128xf32>
    %get3A_47 = arith.constant 0 : index
    %get3A_48 = arith.constant 0 : index
    %get3A_49 = vector.load %arg4[%get3A_47, %get3A_48] : memref<128x64xf32, #tpu.memory_space<vmem>>, vector<128x64xf32>
    %dot_general3A = arith.constant dense<0.000000e+00> : vector<1x64xf32>
    %dot_general3A_50 = tpu.matmul %get3A_46, %get3A_49, %dot_general3A {dimension_numbers = #tpu.dot_dimension_numbers<[1], [0], [0], [1], [0, 0, 1, 1], [], []>, precision = #tpu.contract_precision<fp32>, transpose_lhs_hint = false} : vector<1x128xf32>, vector<128x64xf32>, vector<1x64xf32> -> vector<1x64xf32>
    %get3A_51 = arith.constant 1 : index
    %get3A_52 = arith.constant 0 : index
    %get3A_53 = vector.load %arg3[%get3A_51, %get3A_52] : memref<2x128xf32, #tpu.memory_space<vmem>>, vector<1x128xf32>
    %get3A_54 = arith.constant 0 : index
    %get3A_55 = arith.constant 0 : index
    %get3A_56 = vector.load %arg5[%get3A_54, %get3A_55] : memref<128x64xf32, #tpu.memory_space<vmem>>, vector<128x64xf32>
    %dot_general3A_57 = arith.constant dense<0.000000e+00> : vector<1x64xf32>
    %dot_general3A_58 = tpu.matmul %get3A_53, %get3A_56, %dot_general3A_57 {dimension_numbers = #tpu.dot_dimension_numbers<[1], [0], [0], [1], [0, 0, 1, 1], [], []>, precision = #tpu.contract_precision<fp32>, transpose_lhs_hint = false} : vector<1x128xf32>, vector<128x64xf32>, vector<1x64xf32> -> vector<1x64xf32>
    %add3A_59 = arith.addf %dot_general3A_50, %dot_general3A_58 : vector<1x64xf32>
    %add3A_60 = vector.broadcast %add3A_59 : vector<1x64xf32> to vector<10240x64xf32>
    %add3A_61 = arith.addf %add3A_43, %add3A_60 : vector<10240x64xf32>
    %tanh3A = math.tanh %add3A_61 : vector<10240x64xf32>
    %slice3A_62 = vector.extract_strided_slice %tanh3A {offsets = [0, 0], sizes = [10000, 64], strides = [1, 1]} : vector<10240x64xf32> to vector<10000x64xf32>
    %swap3A = arith.constant 0 : index
    %swap3A_63 = arith.constant 0 : index
    %swap3A_64 = vector.load %arg6[%swap3A, %swap3A_63] : memref<10000x64xf32, #tpu.memory_space<vmem>>, vector<10000x64xf32>
    tpu.vector_store %arg6[%swap3A, %swap3A_63], %slice3A_62 {strides = array<i32>} : memref<10000x64xf32, #tpu.memory_space<vmem>>, vector<10000x64xf32>,
    return
  }
}

</mosaic_0001>

<sc_bundles>
// kernel: kernel.10.cloned.1.call-start
scs
__scs_entry_jumppad:
0x0: {  	(pc) =	sbr.rel $0x88, $3  }
0x1: {  	(tag) =	ssettag $0x0;
	lr =	simm.s32 $0x1  }
0x2: {  	[smem:$0x3F97] =	sst lr;
	_ =	strace $0xD0000000  }
0x3: {  	_ = 	snop  }
0x4: {  	_ = 	snop  }
0x5: {  	_ = 	snop  }
0x6: {  	_ = 	snop  }
0x7: {  	_ = 	snop  }
__scs_overlays_trampoline_lowered:
0x8: {  	[smem:$0x3FA6] =	sst s0  }
0x9: {  	[smem:$0x3FA7] =	sst s1  }
0xa: {  	[smem:$0x3FA8] =	sst s2  }
0xb: {  	[smem:$0x3FA9] =	sst s3  }
0xc: {  	[smem:$0x3FAA] =	sst s4  }
0xd: {  	[smem:$0x3FAB] =	sst s5  }
0xe: {  	[smem:$0x3FAC] =	sst s6  }
0xf: {  	[smem:$0x3FAD] =	sst s7  }
0x10: {  	[smem:$0x3FAE] =	sst s8  }
0x11: {  	[smem:$0x3FAF] =	sst s9;
	s0 =	simm.s32 @!p0 $0x0  }
0x12: {  	s1 =	sld [smem:$0x3F95];
	s0 =	simm.s32 @p0 $0x1  }
0x13: {  	[smem:$0x3FB0] =	sst s0;
	s0 =	simm.s32 @!p1 $0x0  }
0x14: {  	s2 =	sld [smem:$0x3F94];
	s0 =	simm.s32 @p1 $0x1  }
0x15: {  	[smem:$0x3FB1] =	sst s0;
	s0 =	simm.s32 @!p2 $0x0  }
0x16: {  	s3 =	sld [smem:$0x3FDB];
	s0 =	simm.s32 @p2 $0x1  }
0x17: {  	s4 =	simm.s32 $0x1BF5;
	[smem:$0x3FB3] =	sst s0  }
0x18: {  	s0 =	sld [smem:$0x3F96];
	_ =	swait.ge [sflag:s4], $0x0  }
0x19: {  	s7 =	sld [smem:$0x3F97]  }
0x1a: {  	s8 =	sadd.s32 $0xFFFFE003, lr  }
0x1b: {  	s9 =	sadd.s32 $0xFFFFFEF7, lr;
	s5 =	simm.s32 $0xFFFFFFFF;
	p2 =	slt.u32 s8, $0xFFFFF086  }
0x1c: {  	p1 =	slt.u32 s9, $0xF7A;
	s5 =	simm.s32 @!p2 $0x0  }
0x1d: {  	s5 =	simm.s32 @p1 $0x1;
	p0 =	seq.s32 s7, s2  }
0x1e: {  	s7 =	smul.u32 @!p0 $0xF7A, s2;
	p2 =	seq.s32 @!p0 s5, $0x0  }
0x1f: {  	s9 =	smul.u32 $0xF7A, s1;
	s8 =	simm.s32 @!p0 $0x1BF5;
	p2 =	por !p2, p0  }
0x20: {  	[sflag:s8] =	ssyncset.s32 @!p0 $0xFFFFF086;
	s6 =	sadd.s32 @!p0 s3, s7;
	s7 =	simm.s32 @!p0 $0x108  }
0x21: {  	s3 =	sadd.s32 s3, s9;
	s6 =	sadd.s32 @!p0 $0x88, s6;
	s7 =	simm.s32 @p2 $0x1082  }
0x22: {  	[simem:s7], [sflag:s8] =	dma.local @!p0 [hbm:s6], $0xF7A  }
0x23: {  	s9 =	sor.u32 $0xD0000000, s2;
	s6 =	simm.s32 $0x108;
	_ =	swait.ge @!p0 [sflag:s8], $0x0  }
0x24: {  	s3 =	sadd.s32 $0x88, s3;
	s6 =	simm.s32 @!p1 $0x1082;
	[sflag:s4] =	ssyncset.s32 $0xFFFFF086  }
0x25: {  	[simem:s6], [sflag:s4] =	dma.local [hbm:s3], $0xF7A  }
0x26: {  	[smem:$0x3F97] =	sst s1;
	(tag) =	ssettag s2;
	_ =	strace s9  }
0x27: {  	s1 =	sld [smem:$0x3FA7]  }
0x28: {  	s2 =	sld [smem:$0x3FA8]  }
0x29: {  	s4 =	sld [smem:$0x3FAA]  }
0x2a: {  	p0 =	seq.s32 s5, $0x0;
	s5 =	sld [smem:$0x3FAB]  }
0x2b: {  	s6 =	sld [smem:$0x3FAC]  }
0x2c: {  	s7 =	sld [smem:$0x3FAD]  }
0x2d: {  	s3 =	simm.s32 $0x108;
	s8 =	sld [smem:$0x3FAE]  }
0x2e: {  	s3 =	simm.s32 @!p0 $0x1082;
	s9 =	sld [smem:$0x3FAF]  }
0x2f: {  	lr =	sadd.s32 s0, s3;
	s0 =	sld [smem:$0x3FA6]  }
0x30: {  	s3 =	sld [smem:$0x3FA9]  }
0x31: {  	[smem:$0x3FB2] =	sst s10  }
0x32: {  	s10 =	sld [smem:$0x3FB0];
	_ =	sdelay $0x3  }
0x33: {  	p0 =	seq.s32 s10, $0x1;
	s10 =	sld [smem:$0x3FB2];
	_ =	sdelay $0x3  }
0x34: {  	[smem:$0x3FB2] =	sst s10  }
0x35: {  	s10 =	sld [smem:$0x3FB1];
	_ =	sdelay $0x3  }
0x36: {  	p1 =	seq.s32 s10, $0x1;
	s10 =	sld [smem:$0x3FB2];
	_ =	sdelay $0x3  }
0x37: {  	[smem:$0x3FB2] =	sst s10  }
0x38: {  	s10 =	sld [smem:$0x3FB3]  }
0x39: {  	_ = 	snop;
	(pc) =	sbr.ind lr, $3  }
0x3a: {  	_ = 	snop  }
0x3b: {  	_ = 	snop  }
0x3c: {  	p2 =	seq.s32 s10, $0x1;
	s10 =	sld [smem:$0x3FB2]  }
0x3d: {  	_ =	shalt  }
0x3e: {  	_ =	shalt  }
0x3f: {  	_ =	shalt  }
0x40: {  	_ =	shalt  }
0x41: {  	_ =	shalt  }
0x42: {  	_ =	shalt  }
0x43: {  	_ =	shalt  }
0x44: {  	_ =	shalt  }
0x45: {  	_ =	shalt  }
0x46: {  	_ =	shalt  }
0x47: {  	_ =	shalt  }
0x48: {  	_ =	shalt  }
0x49: {  	_ =	shalt  }
0x4a: {  	_ =	shalt  }
0x4b: {  	_ =	shalt  }
0x4c: {  	_ =	shalt  }
0x4d: {  	_ =	shalt  }
0x4e: {  	_ =	shalt  }
0x4f: {  	_ =	shalt  }
0x50: {  	_ =	shalt  }
0x51: {  	_ =	shalt  }
0x52: {  	_ =	shalt  }
0x53: {  	_ =	shalt  }
0x54: {  	_ =	shalt  }
0x55: {  	_ =	shalt  }
0x56: {  	_ =	shalt  }
0x57: {  	_ =	shalt  }
0x58: {  	_ =	shalt  }
0x59: {  	_ =	shalt  }
0x5a: {  	_ =	shalt  }
0x5b: {  	_ =	shalt  }
0x5c: {  	_ =	shalt  }
0x5d: {  	_ =	shalt  }
0x5e: {  	_ =	shalt  }
0x5f: {  	_ =	shalt  }
0x60: {  	_ =	shalt  }
0x61: {  	_ =	shalt  }
0x62: {  	_ =	shalt  }
0x63: {  	_ =	shalt  }
0x64: {  	_ =	shalt  }
0x65: {  	_ =	shalt  }
0x66: {  	_ =	shalt  }
0x67: {  	_ =	shalt  }
0x68: {  	_ =	shalt  }
0x69: {  	_ =	shalt  }
0x6a: {  	_ =	shalt  }
0x6b: {  	_ =	shalt  }
0x6c: {  	_ =	shalt  }
0x6d: {  	_ =	shalt  }
0x6e: {  	_ =	shalt  }
0x6f: {  	_ =	shalt  }
0x70: {  	_ =	shalt  }
0x71: {  	_ =	shalt  }
0x72: {  	_ =	shalt  }
0x73: {  	_ =	shalt  }
0x74: {  	_ =	shalt  }
0x75: {  	_ =	shalt  }
0x76: {  	_ =	shalt  }
0x77: {  	_ =	shalt  }
0x78: {  	_ =	shalt  }
0x79: {  	_ =	shalt  }
0x7a: {  	_ =	shalt  }
0x7b: {  	_ =	shalt  }
0x7c: {  	_ =	shalt  }
0x7d: {  	_ =	shalt  }
0x7e: {  	_ =	shalt  }
0x7f: {  	_ =	shalt  }
0x80: {  	_ =	shalt  }
0x81: {  	_ =	shalt  }
0x82: {  	_ =	shalt  }
0x83: {  	_ =	shalt  }
0x84: {  	_ =	shalt  }
0x85: {  	_ =	shalt  }
0x86: {  	_ =	shalt  }
0x87: {  	_ =	shalt  }
.Lfunc_end0:
.L_simem_size_0:
called_computation.1_lowered:
.L_overlay_start_0:
0x88: {  	s2 =	sld [smem:$0x3FD9]  }
0x89: {  	s3 =	sld [smem:$0x3FFE];
	_ =	sdelay $0x1  }
0x8a: {  	s1 =	srdreg.scid  }
0x8b: {  	s0 =	sand.u32 $0x1, s1  }
0x8c: {  	s17 =	sshll.u32 s0, $0xA;
	s2 =	sadd.s32 s3, s2  }
0x8d: {  	s2 =	sadd.s32 s2, s17  }
0x8e: {  	[smem:$0x3FBE] =	sst s2  }
0x8f: {  	_ = 	snop  }
0x90: {  	s2 =	sld [smem:$0x3FD0];
	(tm) =	ssettm $0x1  }
0x91: {  	s18 =	sld [smem:$0x3FFB];
	_ =	sdelay $0x3  }
0x92: {  	_ =	strace s18  }
0x93: {  	s3 =	sld [smem:$0x3FFC];
	_ =	sdelay $0x3  }
0x94: {  	_ =	strace s3  }
0x95: {  	s3 =	sld [smem:$0x3FFD];
	_ =	sdelay $0x3  }
0x96: {  	_ =	strace s3  }
0x97: {  	_ =	strace $0x8FFFFFFF  }
0x98: {  	s19 =	sld [smem:$0x3FDB];
	_ =	sdelay $0x1  }
0x99: {  	s4 =	simm.s32 $_scs_section_size  }
0x9a: {  	s5 =	simm.s32 $_size__tile_overlayer_lowered;
	s6 =	simm.s32 $_tile_overlayer_lowered  }
0x9b: {  	s22 =	simm.s32 $0x1BFF;
	s21 =	sshll.u32 s6, $0x1;
	s3 =	sadd.s32 s4, s19  }
0x9c: {  	s7 =	simm.s32 $0x0;
	s20 =	sshll.u32 s5, $0x1;
	s5 =	sadd.s32 s21, s3  }
0x9d: {  	[timem:s7], [sflag:s22] =	dma.local [hbm:s5], s20  }
0x9e: {  	_ =	swait.ge [sflag:s22], s20  }
0x9f: {  	s4 =	ssub.s32 $0x0, s20;
	[sflag:s22] =	ssyncset.done $0x0  }
0xa0: {  	[sflag:s22] =	ssyncadd.s32 s4;
	_ =	sdelay $0x1  }
0xa1: {  	s23 =	simm.s32 $0x1B8B  }
0xa2: {  	_ =	swait.ge [sflag:s23], $0x1  }
0xa3: {  	[sflag:s23] =	ssyncset.done $0x0  }
0xa4: {  	s25 =	simm.s32 $0x1B8E;
	s24 =	sld [smem:$0x3FFE];
	[sflag:s23] =	ssyncadd.s32 $0xFFFFFFFF  }
0xa5: {  	s26 =	simm.s32 $execute0_lowered;
	[smem:$0x3FD2] =	sst s25  }
0xa6: {  	s5 =	sshll.u32 s26, $0x1;
	_ =	strace $0x80000049;
	[dreg:$0x1] =	wrdreg $0xFFFFFFFF  }
0xa7: {  	s28 =	simm.s32 $_size_execute0_lowered;
	s3 =	sadd.s32 s3, s5;
	[dreg:$0x0] =	wrdreg $0x0  }
0xa8: {  	s5 =	sshll.u32 s28, $0x1;
	[dreg:$0x2] =	wrdreg s3  }
0xa9: {  	[dreg:$0x3] =	wrdreg s5  }
0xaa: {  	[dreg:$0x4] =	wrdreg $0xC0  }
0xab: {  	_ =	task [dreg:s7], $0x5FFFF  }
0xac: {  	[dreg:$0x1] =	wrdreg $0xFFFFFFFF  }
0xad: {  	[dreg:$0x0] =	wrdreg $0x60  }
0xae: {  	[dreg:$0x2] =	wrdreg s2  }
0xaf: {  	[dreg:$0x3] =	wrdreg s24  }
0xb0: {  	[dreg:$0x4] =	wrdreg $0xB0800  }
0xb1: {  	[dreg:$0x5] =	wrdreg $0x9  }
0xb2: {  	_ =	task.clear_ibuf [dreg:s7], $0x6FFFF;
	_ =	strace $0x90000049  }
0xb3: {  	s29 =	simm.s32 $0x9;
	_ =	strace $0x8000004B  }
0xb4: {  	_ =	swait.ge [sflag:s29], $0x1  }
0xb5: {  	[sflag:s29] =	ssyncadd.s32 $0xFFFFFFFF  }
0xb6: {  	_ =	strace $0x9000004B  }
0xb7: {  	_ =	sfence  }
0xb8: {  	s30 =	sld [smem:$0x0];
	_ =	sdelay $0x2  }
0xb9: {  	s31 =	sshll.u32 s1, $0xD;
	s1 =	sshrl.u32 s1, $0x2  }
0xba: {  	s3 =	sand.u32 $0x4000, s31;
	s1 =	sadd.s32 s1, s30  }
0xbb: {  	s0 =	sor.u32 s3, s0;
	s1 =	sshll.u32 s1, $0x11  }
0xbc: {  	s0 =	sor.u32 s1, s0  }
0xbd: {  	s0 =	sadd.s32 $0x8F2B, s0  }
0xbe: {  	[sflag:s0] =	ssyncadd.remote.s32 $0x1  }
0xbf: {  	_ =	sfence.sel $0xFFFF  }
0xc0: {  	[dreg:$0x0] =	wrdreg $0xFFFFFFFF;
	(pc) =	sbr.abs _section_cstart, $3  }
0xc1: {  	[dreg:$0x1] =	wrdreg $0xFFFFFFFF  }
0xc2: {  	_ =	task.clear_ibuf [dreg:s7], $0x2FFFF;
	_ =	strace $0x9FFFFFFF  }
0xc3: {  	(tm) =	ssettm $0x7FFFFFFF  }
tec
execute0_lowered:
.L_overlay_start_1:
0x0: {  	(tag) =	ssettag $0x1  }
0x1: {  	s0 =	srdreg.scid  }
0x2: {  	s12 =	stileid.u32;
	s1 =	rddreg [dreg:$0x0]  }
0x3: {  	s7 =	rddreg [dreg:$0x1];
	s4 =	simm.s32 $0x0;
	s28 =	simm.s32 $0x9080  }
0x4: {  	s29 =	simm.s32 $0x1;
	s30 =	simm.s32 $0x6080;
	s31 =	simm.s32 $0x5040  }
0x5: {  	s0 =	sand.u32 $0x1, s0;
	s2 =	sshll.u32 s12, $0x1;
	s8 =	smul.u32 $0x14000, s12  }
0x6: {  	[smem:$0x7FF] =	sst s4;
	s5 =	sadd.s32 $0xD400, s7;
	s12 =	smul.u32 $0x50000, s12  }
0x7: {  	s3 =	sor.u32 s0, s2;
	s2 =	rddreg [dreg:$0x2];
	s6 =	smul.u32 $0x140000, s0  }
0x8: {  	_ =	strace $0x8000004A;
	s0 =	ssub.s32 $0x2, s0;
	s3 =	smul.u32 $0x2800, s3  }
0x9: {  	s13 =	sshrl.u32 s0, $0x1;
	s18 =	sshrl.u32 s12, $0x2;
	s11 =	sadd.s32 s8, s6  }
0xa: {  	s6 =	sadd.s32 $0x17400, s7;
	s0 =	ssub.s32 s0, s13;
	s20 =	sadd.s32 s18, s2  }
0xb: {  	s9 =	sshrl.u32 s3, $0x3;
	s11 =	sshrl.u32 s11, $0x3;
	s21 =	sadd.s32 $0x2000, s20  }
0xc: {  	s22 =	sadd.s32 $0x4000, s20;
	s23 =	sadd.s32 $0x6000, s20;
	[dreg:$0x7] =	wrdreg s21  }
0xd: {  	s24 =	sadd.s32 $0x8000, s20;
	s25 =	sadd.s32 $0xA000, s20;
	[dreg:$0x8] =	wrdreg s22  }
0xe: {  	s26 =	sadd.s32 $0xC000, s20;
	s17 =	sadd.s32 $0xE000, s20;
	[dreg:$0x9] =	wrdreg s23  }
0xf: {  	s18 =	sadd.s32 $0x10000, s20;
	s10 =	sadd.s32 s9, s7;
	[dreg:$0xa] =	wrdreg s24  }
0x10: {  	s7 =	sadd.s32 s11, s7;
	s1 =	sadd.s32 s1, s9;
	[dreg:$0xb] =	wrdreg s25  }
0x11: {  	s9 =	sadd.s32 s5, s9;
	[dreg:$0xc] =	wrdreg s26;
	s21 =	smax.u32 s0, $0x1  }
0x12: {  	s22 =	simm.s32 $0x5;
	s24 =	simm.s32 $0x40;
	s26 =	simm.s32 $0x5000  }
0x13: {  	s23 =	simm.s32 $0x2;
	s25 =	simm.s32 $0x3;
	[dreg:$0x4] =	wrdreg s1  }
0x14: {  	s0 =	simm.s32 $0x4;
	s19 =	sadd.s32 $0x2000, s10;
	[dreg:$0x6] =	wrdreg s9  }
0x15: {  	s10 =	sadd.s32 s8, s2;
	s1 =	simm.s32 $0x7080;
	[dreg:$0x5] =	wrdreg s19  }
0x16: {  	v0 =	vimm.f32 $0.0e+00;
	s19 =	sadd.s32 $0x12000, s20;
	s20 =	sadd.s32 $0x2B400, s7;
	s7 =	simm.s32 $0x0  }
.LBB2_1:
0x17: {  	s8 =	rddreg [dreg:$0x4]  }
0x18: {  	[tilespmem:s4], [sflag:$0x5] =	stream.linear.gather [hbm4b:s8+s4], $0x2800, $0x38;
	[tilespmem:$0x1F080] =	vst v63  }
0x19: {  	_ =	swait.ge [sflag:s22], $0x2800  }
0x1a: {  	[sflag:s22] =	ssyncset.done $0x0  }
0x1b: {  	s9 =	simm.s32 $0x2800;
	s14 =	rddreg [dreg:$0x5];
	[sflag:s22] =	ssyncadd.s32 $0xFFFFD800  }
0x1c: {  	[tilespmem:s9], [sflag:$0x5] =	stream.linear.gather [hbm4b:s14+s4], $0x2800, $0x38;
	[tilespmem:$0x1F080] =	vst v63  }
0x1d: {  	_ =	swait.ge [sflag:s22], $0x2800  }
0x1e: {  	[sflag:s22] =	ssyncset.done $0x0  }
0x1f: {  	s15 =	simm.s32 $0x5080;
	[sflag:s22] =	ssyncadd.s32 $0xFFFFD800  }
0x20: {  	[tilespmem:s15], [sflag:$0x1] =	stream.indirect.gather [hbm4b:s6+s24], $0x40, s4, s24, $0xb8;
	[tilespmem:$0x1F080] =	vst v63  }
0x21: {  	s8 =	simm.s32 $0x0;
	s9 =	simm.s32 $0x200;
	s16 =	rddreg [dreg:$0x6]  }
0x22: {  	[tilespmem:s26], [sflag:$0x1] =	stream.linear.gather [hbm4b:s16+s4], $0x40, $0x38;
	[tilespmem:$0x1F080] =	vst v63  }
.LBB2_2:
0x23: {  	p0 =	sne.s32 s9, $0x7E00;
	[tilespmem:s8+$0x90F0] =	vst v0  }
0x24: {  	[tilespmem:s8+$0x9080] =	vst v0  }
0x25: {  	[tilespmem:s8+$0x9090] =	vst v0  }
.Ltmp0:
0x26: {  	[tilespmem:s8+$0x90A0] =	vst v0;
	(pc) =	sbr.rel @p0 .LBB2_2-.Ltmp0, $4  }
0x27: {  	[tilespmem:s8+$0x90B0] =	vst v0  }
0x28: {  	[tilespmem:s8+$0x90C0] =	vst v0  }
0x29: {  	[tilespmem:s8+$0x90D0] =	vst v0  }
0x2a: {  	[tilespmem:s8+$0x90E0] =	vst v0;
	s8 =	sshra.s32 s9, $0x2;
	s9 =	sadd.s32 $0x200, s9  }
0x2b: {  	[tilespmem:s8+$0x90F0] =	vst v0  }
0x2c: {  	[tilespmem:s8+$0x9080] =	vst v0  }
0x2d: {  	[tilespmem:s8+$0x9090] =	vst v0  }
0x2e: {  	[tilespmem:s8+$0x90A0] =	vst v0  }
0x2f: {  	[tilespmem:s8+$0x90B0] =	vst v0  }
0x30: {  	[tilespmem:s8+$0x90C0] =	vst v0  }
0x31: {  	[tilespmem:s8+$0x90D0] =	vst v0  }
0x32: {  	[tilespmem:s8+$0x90E0] =	vst v0  }
0x33: {  	[spmem:s10] =	stream.linear.scatter [tilespmem:s28], [sflag:$0x5], $0x2000, $0x38;
	[tilespmem:$0x1F080] =	vst v63  }
0x34: {  	_ =	swait.ge [sflag:s22], $0x2000  }
0x35: {  	[sflag:s22] =	ssyncset.done $0x0  }
0x36: {  	s11 =	rddreg [dreg:$0x7];
	[sflag:s22] =	ssyncadd.s32 $0xFFFFE000  }
0x37: {  	[spmem:s11] =	stream.linear.scatter [tilespmem:s28], [sflag:$0x5], $0x2000, $0x38;
	[tilespmem:$0x1F080] =	vst v63  }
0x38: {  	_ =	swait.ge [sflag:s22], $0x2000  }
0x39: {  	[sflag:s22] =	ssyncset.done $0x0  }
0x3a: {  	s12 =	rddreg [dreg:$0x8];
	[sflag:s22] =	ssyncadd.s32 $0xFFFFE000  }
0x3b: {  	[spmem:s12] =	stream.linear.scatter [tilespmem:s28], [sflag:$0x5], $0x2000, $0x38;
	[tilespmem:$0x1F080] =	vst v63  }
0x3c: {  	_ =	swait.ge [sflag:s22], $0x2000  }
0x3d: {  	[sflag:s22] =	ssyncset.done $0x0  }
0x3e: {  	s13 =	rddreg [dreg:$0x9];
	[sflag:s22] =	ssyncadd.s32 $0xFFFFE000  }
0x3f: {  	[spmem:s13] =	stream.linear.scatter [tilespmem:s28], [sflag:$0x5], $0x2000, $0x38;
	[tilespmem:$0x1F080] =	vst v63  }
0x40: {  	_ =	swait.ge [sflag:s22], $0x2000  }
0x41: {  	[sflag:s22] =	ssyncset.done $0x0  }
0x42: {  	s14 =	rddreg [dreg:$0xa];
	[sflag:s22] =	ssyncadd.s32 $0xFFFFE000  }
0x43: {  	[spmem:s14] =	stream.linear.scatter [tilespmem:s28], [sflag:$0x5], $0x2000, $0x38;
	[tilespmem:$0x1F080] =	vst v63  }
0x44: {  	_ =	swait.ge [sflag:s22], $0x2000  }
0x45: {  	[sflag:s22] =	ssyncset.done $0x0  }
0x46: {  	s15 =	rddreg [dreg:$0xb];
	[sflag:s22] =	ssyncadd.s32 $0xFFFFE000  }
0x47: {  	[spmem:s15] =	stream.linear.scatter [tilespmem:s28], [sflag:$0x5], $0x2000, $0x38;
	[tilespmem:$0x1F080] =	vst v63  }
0x48: {  	_ =	swait.ge [sflag:s22], $0x2000  }
0x49: {  	[sflag:s22] =	ssyncset.done $0x0  }
0x4a: {  	s16 =	rddreg [dreg:$0xc];
	[sflag:s22] =	ssyncadd.s32 $0xFFFFE000  }
0x4b: {  	[spmem:s16] =	stream.linear.scatter [tilespmem:s28], [sflag:$0x5], $0x2000, $0x38;
	[tilespmem:$0x1F080] =	vst v63  }
0x4c: {  	_ =	swait.ge [sflag:s22], $0x2000  }
0x4d: {  	[sflag:s22] =	ssyncset.done $0x0  }
0x4e: {  	[sflag:s22] =	ssyncadd.s32 $0xFFFFE000  }
0x4f: {  	[spmem:s17] =	stream.linear.scatter [tilespmem:s28], [sflag:$0x5], $0x2000, $0x38;
	[tilespmem:$0x1F080] =	vst v63  }
0x50: {  	_ =	swait.ge [sflag:s22], $0x2000  }
0x51: {  	[sflag:s22] =	ssyncset.done $0x0  }
0x52: {  	[sflag:s22] =	ssyncadd.s32 $0xFFFFE000  }
0x53: {  	[spmem:s18] =	stream.linear.scatter [tilespmem:s28], [sflag:$0x5], $0x2000, $0x38;
	[tilespmem:$0x1F080] =	vst v63  }
0x54: {  	_ =	swait.ge [sflag:s22], $0x2000  }
0x55: {  	[sflag:s22] =	ssyncset.done $0x0  }
0x56: {  	[sflag:s22] =	ssyncadd.s32 $0xFFFFE000  }
0x57: {  	[spmem:s19] =	stream.linear.scatter [tilespmem:s28], [sflag:$0x5], $0x2000, $0x38;
	[tilespmem:$0x1F080] =	vst v63  }
0x58: {  	_ =	swait.ge [sflag:s22], $0x2000  }
0x59: {  	[sflag:s22] =	ssyncset.done $0x0  }
0x5a: {  	[sflag:s22] =	ssyncadd.s32 $0xFFFFE000  }
0x5b: {  	s8 =	simm.s32 $0x0;
	s9 =	simm.s32 $0x0;
	[bflag:$0x0] =	sbarrier.arrive $0xFFFF  }
.LBB2_4:
0x5c: {  	_ =	swait.ge [sflag:s29], $0x1000  }
0x5d: {  	[sflag:s29] =	ssyncset.done $0x0  }
0x5e: {  	[sflag:s29] =	ssyncadd.s32 $0xFFFFF000  }
0x5f: {  	_ =	swait.ge [sflag:s29], $0x40  }
0x60: {  	p0 =	seq.s32 s9, $0x0;
	[sflag:s29] =	ssyncset.done $0x0  }
0x61: {  	s11 =	simm.s32 @!p0 $0x4;
	[sflag:s29] =	ssyncadd.s32 $0xFFFFFFC0  }
0x62: {  	_ =	swait.ge @!p0 [sflag:s11], $0x2000  }
0x63: {  	s12 =	sshllo.u32 s9, $0x1;
	[sflag:s11] =	ssyncset.done @!p0 $0x0  }
0x64: {  	[sflag:s11] =	ssyncadd.s32 @!p0 $0xFFFFE000;
	s11 =	sshll.u32 s12, $0x6  }
0x65: {  	[tilespmem:s30], [sflag:$0x2] =	stream.indirect.gather [hbm4b:s6+s24], $0x40, s11, s24, $0xb8;
	[tilespmem:$0x1F080] =	vst v63  }
0x66: {  	s12 =	sadd.s32 s3, s11  }
0x67: {  	s12 =	sshrl.u32 s12, $0x3  }
0x68: {  	s12 =	sadd.s32 s5, s12  }
0x69: {  	v1 =	vmov s8;
	[tilespmem:s31], [sflag:$0x2] =	stream.linear.gather [hbm4b:s12+s8], $0x40, $0x38;
	[tilespmem:$0x1F080] =	vst v63  }
0x6a: {  	v1 =	vand.u32 $0xFFFFFFFE, v1;
	s12 =	simm.s32 $0x50C0  }
0x6b: {  	v1 =	vbroadcast v1, $0x0;
	v2 =	vld [tilespmem:s12+$0xFFFFFFC0];
	_ =	sdelay $0x4  }
0x6c: {  	s13 =	simm.s32 $0x7100;
	v3 =	vunpack.i.l.bf16.f32 v2  }
0x6d: {  	v1 =	vld.idx.msk [tilespmem:v1+s26+$0x0], $0xffff;
	v2 =	vunpack.i.u.bf16.f32 v2;
	[tilespmem:s13+$0xFFFFFF80] =	vst v3  }
0x6e: {  	[tilespmem:s13+$0xFFFFFF90] =	vst v2  }
0x6f: {  	v2 =	vld [tilespmem:s12+$0xFFFFFFD0];
	_ =	sdelay $0x4  }
0x70: {  	v3 =	vunpack.i.l.bf16.f32 v2  }
0x71: {  	v2 =	vunpack.i.u.bf16.f32 v2;
	[tilespmem:s13+$0xFFFFFFA0] =	vst v3  }
0x72: {  	[tilespmem:s13+$0xFFFFFFB0] =	vst v2  }
0x73: {  	v2 =	vld [tilespmem:s12+$0xFFFFFFE0];
	_ =	sdelay $0x4  }
0x74: {  	v3 =	vunpack.i.l.bf16.f32 v2  }
0x75: {  	v2 =	vunpack.i.u.bf16.f32 v2;
	v3 =	vmul.f32 v3, v1  }
0x76: {  	v2 =	vmul.f32 v2, v1  }
0x77: {  	[tilespmem:s13+$0xFFFFFFC0] =	vst v3  }
0x78: {  	[tilespmem:s13+$0xFFFFFFD0] =	vst v2  }
0x79: {  	v2 =	vld [tilespmem:s12+$0xFFFFFFF0];
	_ =	sdelay $0x4  }
0x7a: {  	v3 =	vunpack.i.l.bf16.f32 v2  }
0x7b: {  	v2 =	vunpack.i.u.bf16.f32 v2;
	v3 =	vmul.f32 v3, v1  }
0x7c: {  	v1 =	vmul.f32 v2, v1  }
0x7d: {  	[tilespmem:s13+$0xFFFFFFE0] =	vst v3  }
0x7e: {  	[tilespmem:s13+$0xFFFFFFF0] =	vst v1  }
0x7f: {  	s14 =	simm.s32 $0x1;
	v2 =	vld [tilespmem:s12+$0x0]  }
0x80: {  	v1 =	vmov s14;
	_ =	sdelay $0x3  }
0x81: {  	v3 =	vunpack.i.l.bf16.f32 v2  }
0x82: {  	v1 =	vld.idx.msk [tilespmem:v1+s26+$0x0], $0xffff;
	v2 =	vunpack.i.u.bf16.f32 v2;
	[tilespmem:s13+$0x0] =	vst v3  }
0x83: {  	[tilespmem:s13+$0x10] =	vst v2  }
0x84: {  	v2 =	vld [tilespmem:s12+$0x10];
	_ =	sdelay $0x4  }
0x85: {  	v3 =	vunpack.i.l.bf16.f32 v2  }
0x86: {  	v2 =	vunpack.i.u.bf16.f32 v2;
	[tilespmem:s13+$0x20] =	vst v3  }
0x87: {  	[tilespmem:s13+$0x30] =	vst v2  }
0x88: {  	v2 =	vld [tilespmem:s12+$0x20];
	_ =	sdelay $0x4  }
0x89: {  	v3 =	vunpack.i.l.bf16.f32 v2  }
0x8a: {  	v2 =	vunpack.i.u.bf16.f32 v2;
	v3 =	vmul.f32 v3, v1  }
0x8b: {  	v2 =	vmul.f32 v2, v1  }
0x8c: {  	[tilespmem:s13+$0x40] =	vst v3  }
0x8d: {  	[tilespmem:s13+$0x50] =	vst v2  }
0x8e: {  	s15 =	simm.s32 $0x2;
	s14 =	simm.s32 $0x7100;
	v2 =	vld [tilespmem:s12+$0x30]  }
.LBB2_5:
0x8f: {  	p0 =	slt.u32 s15, $0x3E;
	s13 =	sadd.s32 $0x100, s13;
	s12 =	sadd.s32 $0x80, s12  }
0x90: {  	s16 =	smov.u32 s15;
	s15 =	sadd.s32 $0x2, s15;
	_ =	sdelay $0x2  }
0x91: {  	v3 =	vunpack.i.u.bf16.f32 v2;
	v2 =	vunpack.i.l.bf16.f32 v2  }
0x92: {  	v2 =	vmul.f32 v2, v1;
	v1 =	vmul.f32 v3, v1  }
0x93: {  	v3 =	vmov s16  }
0x94: {  	v3 =	vand.u32 $0xFFFFFFFE, v3;
	[tilespmem:s14+$0x60] =	vst v2  }
0x95: {  	v2 =	vbroadcast v3, $0x0;
	[tilespmem:s14+$0x70] =	vst v1;
	s14 =	smov.u32 s13  }
0x96: {  	v1 =	vld [tilespmem:s12+$0xFFFFFFC0];
	_ =	sdelay $0x4  }
0x97: {  	v2 =	vld.idx.msk [tilespmem:v2+s26+$0x0], $0xffff;
	v3 =	vunpack.i.u.bf16.f32 v1;
	v1 =	vunpack.i.l.bf16.f32 v1  }
0x98: {  	[tilespmem:s13+$0xFFFFFF80] =	vst v1  }
0x99: {  	[tilespmem:s13+$0xFFFFFF90] =	vst v3  }
0x9a: {  	v1 =	vld [tilespmem:s12+$0xFFFFFFD0];
	_ =	sdelay $0x4  }
0x9b: {  	v3 =	vunpack.i.u.bf16.f32 v1;
	v1 =	vunpack.i.l.bf16.f32 v1  }
0x9c: {  	[tilespmem:s13+$0xFFFFFFA0] =	vst v1  }
0x9d: {  	[tilespmem:s13+$0xFFFFFFB0] =	vst v3  }
0x9e: {  	v1 =	vld [tilespmem:s12+$0xFFFFFFE0];
	_ =	sdelay $0x4  }
0x9f: {  	v3 =	vunpack.i.u.bf16.f32 v1;
	v1 =	vunpack.i.l.bf16.f32 v1  }
0xa0: {  	v1 =	vmul.f32 v1, v2;
	v3 =	vmul.f32 v3, v2;
	_ =	sdelay $0x1  }
0xa1: {  	[tilespmem:s13+$0xFFFFFFC0] =	vst v1  }
0xa2: {  	[tilespmem:s13+$0xFFFFFFD0] =	vst v3  }
0xa3: {  	v1 =	vld [tilespmem:s12+$0xFFFFFFF0];
	_ =	sdelay $0x4  }
0xa4: {  	v3 =	vunpack.i.u.bf16.f32 v1;
	v1 =	vunpack.i.l.bf16.f32 v1  }
0xa5: {  	v1 =	vmul.f32 v1, v2;
	v2 =	vmul.f32 v3, v2;
	_ =	sdelay $0x1  }
0xa6: {  	[tilespmem:s13+$0xFFFFFFE0] =	vst v1  }
0xa7: {  	s16 =	sadd.s32 $0x1, s16;
	[tilespmem:s13+$0xFFFFFFF0] =	vst v2  }
0xa8: {  	v1 =	vmov s16;
	v2 =	vld [tilespmem:s12+$0x0];
	_ =	sdelay $0x4  }
0xa9: {  	v1 =	vld.idx.msk [tilespmem:v1+s26+$0x0], $0xffff;
	v3 =	vunpack.i.u.bf16.f32 v2;
	v2 =	vunpack.i.l.bf16.f32 v2  }
0xaa: {  	[tilespmem:s13+$0x0] =	vst v2  }
0xab: {  	[tilespmem:s13+$0x10] =	vst v3  }
0xac: {  	v2 =	vld [tilespmem:s12+$0x10];
	_ =	sdelay $0x4  }
0xad: {  	v3 =	vunpack.i.u.bf16.f32 v2;
	v2 =	vunpack.i.l.bf16.f32 v2  }
0xae: {  	[tilespmem:s13+$0x20] =	vst v2  }
0xaf: {  	[tilespmem:s13+$0x30] =	vst v3  }
0xb0: {  	v2 =	vld [tilespmem:s12+$0x20];
	_ =	sdelay $0x4  }
0xb1: {  	v3 =	vunpack.i.u.bf16.f32 v2;
	v2 =	vunpack.i.l.bf16.f32 v2  }
.Ltmp1:
0xb2: {  	v2 =	vmul.f32 v2, v1;
	v3 =	vmul.f32 v3, v1;
	(pc) =	sbr.rel @p0 .LBB2_5-.Ltmp1, $4  }
0xb3: {  	_ = 	snop  }
0xb4: {  	[tilespmem:s13+$0x40] =	vst v2  }
0xb5: {  	[tilespmem:s13+$0x50] =	vst v3  }
0xb6: {  	v2 =	vld [tilespmem:s12+$0x30]  }
0xb7: {  	_ =	sdelay $0x3  }
0xb8: {  	v3 =	vunpack.i.l.bf16.f32 v2  }
0xb9: {  	v2 =	vunpack.i.u.bf16.f32 v2;
	v3 =	vmul.f32 v3, v1  }
0xba: {  	s12 =	sshll.u32 s9, $0x7;
	v1 =	vmul.f32 v2, v1  }
0xbb: {  	s12 =	sand.u32 $0x3FFFFF80, s12;
	[tilespmem:s14+$0x60] =	vst v3  }
0xbc: {  	s12 =	sadd.s32 $0x2800, s12;
	[tilespmem:s14+$0x70] =	vst v1  }
0xbd: {  	[spmem:s2] =	stream.indirect.scatter.add.f32 [tilespmem:s1], [sflag:$0x3], $0x80, s12, s24, $0xb8;
	[tilespmem:$0x1F080] =	vst v63  }
0xbe: {  	_ =	swait.ge [sflag:s23], $0x1000  }
0xbf: {  	[sflag:s23] =	ssyncset.done $0x0  }
0xc0: {  	[sflag:s23] =	ssyncadd.s32 $0xFFFFF000  }
0xc1: {  	_ =	swait.ge [sflag:s23], $0x40  }
0xc2: {  	p0 =	seq.s32 s9, $0x4F;
	[sflag:s23] =	ssyncset.done $0x0  }
0xc3: {  	s12 =	simm.s32 @!p0 $0x3;
	[sflag:s23] =	ssyncadd.s32 $0xFFFFFFC0  }
0xc4: {  	_ =	swait.ge @!p0 [sflag:s12], $0x2000  }
0xc5: {  	[sflag:s12] =	ssyncset.done @!p0 $0x0  }
0xc6: {  	[sflag:s12] =	ssyncadd.s32 @!p0 $0xFFFFE000;
	s12 =	sshll.u32 @!p0 s9, $0x7  }
0xc7: {  	s13 =	simm.s32 @!p0 $0x40;
	s14 =	simm.s32 @!p0 $0x5080;
	s12 =	sadd.s32 @!p0 $0x80, s12  }
0xc8: {  	[tilespmem:s14], [sflag:$0x1] =	stream.indirect.gather @!p0 [hbm4b:s6+s13], $0x40, s12, s13, $0xb8;
	[tilespmem:$0x1F080] =	vst v63  }
0xc9: {  	s12 =	sadd.s32 @!p0 s3, s12  }
0xca: {  	s16 =	simm.s32 $0x0;
	s12 =	sshrl.u32 @!p0 s12, $0x3  }
0xcb: {  	s15 =	simm.s32 @!p0 $0x5000;
	s14 =	simm.s32 @!p0 $0x0;
	s12 =	sadd.s32 @!p0 s5, s12  }
0xcc: {  	v1 =	vmov s16;
	[tilespmem:s15], [sflag:$0x1] =	stream.linear.gather @!p0 [hbm4b:s12+s14], $0x40, $0x38;
	[tilespmem:$0x1F080] =	vst v63  }
0xcd: {  	v1 =	vand.u32 $0xFFFFFFFE, v1;
	s12 =	simm.s32 $0x60C0  }
0xce: {  	v1 =	vbroadcast v1, $0x0;
	v2 =	vld [tilespmem:s12+$0xFFFFFFC0];
	_ =	sdelay $0x4  }
0xcf: {  	s13 =	simm.s32 $0x9100;
	v3 =	vunpack.i.l.bf16.f32 v2  }
0xd0: {  	v1 =	vld.idx.msk [tilespmem:v1+s31+$0x0], $0xffff;
	v2 =	vunpack.i.u.bf16.f32 v2;
	[tilespmem:s13+$0xFFFFFF80] =	vst v3  }
0xd1: {  	[tilespmem:s13+$0xFFFFFF90] =	vst v2  }
0xd2: {  	v2 =	vld [tilespmem:s12+$0xFFFFFFD0];
	_ =	sdelay $0x4  }
0xd3: {  	v3 =	vunpack.i.l.bf16.f32 v2  }
0xd4: {  	v2 =	vunpack.i.u.bf16.f32 v2;
	[tilespmem:s13+$0xFFFFFFA0] =	vst v3  }
0xd5: {  	[tilespmem:s13+$0xFFFFFFB0] =	vst v2  }
0xd6: {  	v2 =	vld [tilespmem:s12+$0xFFFFFFE0];
	_ =	sdelay $0x4  }
0xd7: {  	v3 =	vunpack.i.l.bf16.f32 v2  }
0xd8: {  	v2 =	vunpack.i.u.bf16.f32 v2;
	v3 =	vmul.f32 v3, v1  }
0xd9: {  	v2 =	vmul.f32 v2, v1  }
0xda: {  	[tilespmem:s13+$0xFFFFFFC0] =	vst v3  }
0xdb: {  	[tilespmem:s13+$0xFFFFFFD0] =	vst v2  }
0xdc: {  	v2 =	vld [tilespmem:s12+$0xFFFFFFF0];
	_ =	sdelay $0x4  }
0xdd: {  	v3 =	vunpack.i.l.bf16.f32 v2  }
0xde: {  	v2 =	vunpack.i.u.bf16.f32 v2;
	v3 =	vmul.f32 v3, v1  }
0xdf: {  	v1 =	vmul.f32 v2, v1  }
0xe0: {  	[tilespmem:s13+$0xFFFFFFE0] =	vst v3  }
0xe1: {  	[tilespmem:s13+$0xFFFFFFF0] =	vst v1  }
0xe2: {  	s16 =	simm.s32 $0x1;
	v2 =	vld [tilespmem:s12+$0x0]  }
0xe3: {  	v1 =	vmov s16;
	_ =	sdelay $0x3  }
0xe4: {  	v3 =	vunpack.i.l.bf16.f32 v2  }
0xe5: {  	v1 =	vld.idx.msk [tilespmem:v1+s31+$0x0], $0xffff;
	v2 =	vunpack.i.u.bf16.f32 v2;
	[tilespmem:s13+$0x0] =	vst v3  }
0xe6: {  	[tilespmem:s13+$0x10] =	vst v2  }
0xe7: {  	v2 =	vld [tilespmem:s12+$0x10];
	_ =	sdelay $0x4  }
0xe8: {  	v3 =	vunpack.i.l.bf16.f32 v2  }
0xe9: {  	v2 =	vunpack.i.u.bf16.f32 v2;
	[tilespmem:s13+$0x20] =	vst v3  }
0xea: {  	[tilespmem:s13+$0x30] =	vst v2  }
0xeb: {  	v2 =	vld [tilespmem:s12+$0x20];
	_ =	sdelay $0x4  }
0xec: {  	v3 =	vunpack.i.l.bf16.f32 v2  }
0xed: {  	v2 =	vunpack.i.u.bf16.f32 v2;
	v3 =	vmul.f32 v3, v1  }
0xee: {  	v2 =	vmul.f32 v2, v1  }
0xef: {  	[tilespmem:s13+$0x40] =	vst v3  }
0xf0: {  	[tilespmem:s13+$0x50] =	vst v2  }
0xf1: {  	s15 =	simm.s32 $0x2;
	s14 =	simm.s32 $0x9100;
	v2 =	vld [tilespmem:s12+$0x30]  }
.LBB2_7:
0xf2: {  	p0 =	slt.u32 s15, $0x3E;
	s13 =	sadd.s32 $0x100, s13;
	s12 =	sadd.s32 $0x80, s12  }
0xf3: {  	s16 =	smov.u32 s15;
	s15 =	sadd.s32 $0x2, s15;
	_ =	sdelay $0x2  }
0xf4: {  	v3 =	vunpack.i.u.bf16.f32 v2;
	v2 =	vunpack.i.l.bf16.f32 v2  }
0xf5: {  	v2 =	vmul.f32 v2, v1;
	v1 =	vmul.f32 v3, v1  }
0xf6: {  	v3 =	vmov s16  }
0xf7: {  	v3 =	vand.u32 $0xFFFFFFFE, v3;
	[tilespmem:s14+$0x60] =	vst v2  }
0xf8: {  	v2 =	vbroadcast v3, $0x0;
	[tilespmem:s14+$0x70] =	vst v1;
	s14 =	smov.u32 s13  }
0xf9: {  	v1 =	vld [tilespmem:s12+$0xFFFFFFC0];
	_ =	sdelay $0x4  }
0xfa: {  	v2 =	vld.idx.msk [tilespmem:v2+s31+$0x0], $0xffff;
	v3 =	vunpack.i.u.bf16.f32 v1;
	v1 =	vunpack.i.l.bf16.f32 v1  }
0xfb: {  	[tilespmem:s13+$0xFFFFFF80] =	vst v1  }
0xfc: {  	[tilespmem:s13+$0xFFFFFF90] =	vst v3  }
0xfd: {  	v1 =	vld [tilespmem:s12+$0xFFFFFFD0];
	_ =	sdelay $0x4  }
0xfe: {  	v3 =	vunpack.i.u.bf16.f32 v1;
	v1 =	vunpack.i.l.bf16.f32 v1  }
0xff: {  	[tilespmem:s13+$0xFFFFFFA0] =	vst v1  }
0x100: {  	[tilespmem:s13+$0xFFFFFFB0] =	vst v3  }
0x101: {  	v1 =	vld [tilespmem:s12+$0xFFFFFFE0];
	_ =	sdelay $0x4  }
0x102: {  	v3 =	vunpack.i.u.bf16.f32 v1;
	v1 =	vunpack.i.l.bf16.f32 v1  }
0x103: {  	v1 =	vmul.f32 v1, v2;
	v3 =	vmul.f32 v3, v2;
	_ =	sdelay $0x1  }
0x104: {  	[tilespmem:s13+$0xFFFFFFC0] =	vst v1  }
0x105: {  	[tilespmem:s13+$0xFFFFFFD0] =	vst v3  }
0x106: {  	v1 =	vld [tilespmem:s12+$0xFFFFFFF0];
	_ =	sdelay $0x4  }
0x107: {  	v3 =	vunpack.i.u.bf16.f32 v1;
	v1 =	vunpack.i.l.bf16.f32 v1  }
0x108: {  	v1 =	vmul.f32 v1, v2;
	v2 =	vmul.f32 v3, v2;
	_ =	sdelay $0x1  }
0x109: {  	[tilespmem:s13+$0xFFFFFFE0] =	vst v1  }
0x10a: {  	s16 =	sadd.s32 $0x1, s16;
	[tilespmem:s13+$0xFFFFFFF0] =	vst v2  }
0x10b: {  	v1 =	vmov s16;
	v2 =	vld [tilespmem:s12+$0x0];
	_ =	sdelay $0x4  }
0x10c: {  	v1 =	vld.idx.msk [tilespmem:v1+s31+$0x0], $0xffff;
	v3 =	vunpack.i.u.bf16.f32 v2;
	v2 =	vunpack.i.l.bf16.f32 v2  }
0x10d: {  	[tilespmem:s13+$0x0] =	vst v2  }
0x10e: {  	[tilespmem:s13+$0x10] =	vst v3  }
0x10f: {  	v2 =	vld [tilespmem:s12+$0x10];
	_ =	sdelay $0x4  }
0x110: {  	v3 =	vunpack.i.u.bf16.f32 v2;
	v2 =	vunpack.i.l.bf16.f32 v2  }
0x111: {  	[tilespmem:s13+$0x20] =	vst v2  }
0x112: {  	[tilespmem:s13+$0x30] =	vst v3  }
0x113: {  	v2 =	vld [tilespmem:s12+$0x20];
	_ =	sdelay $0x4  }
0x114: {  	v3 =	vunpack.i.u.bf16.f32 v2;
	v2 =	vunpack.i.l.bf16.f32 v2  }
.Ltmp2:
0x115: {  	v2 =	vmul.f32 v2, v1;
	v3 =	vmul.f32 v3, v1;
	(pc) =	sbr.rel @p0 .LBB2_7-.Ltmp2, $4  }
0x116: {  	_ = 	snop  }
0x117: {  	[tilespmem:s13+$0x40] =	vst v2  }
0x118: {  	[tilespmem:s13+$0x50] =	vst v3  }
0x119: {  	v2 =	vld [tilespmem:s12+$0x30]  }
0x11a: {  	_ =	sdelay $0x2  }
0x11b: {  	s9 =	sadd.s32 $0x1, s9  }
0x11c: {  	p0 =	sne.s32 s9, $0x50;
	v3 =	vunpack.i.l.bf16.f32 v2  }
.Ltmp3:
0x11d: {  	v2 =	vunpack.i.u.bf16.f32 v2;
	v3 =	vmul.f32 v3, v1;
	(pc) =	sbr.rel @p0 .LBB2_4-.Ltmp3, $4  }
0x11e: {  	v1 =	vmul.f32 v2, v1  }
0x11f: {  	s11 =	sand.u32 $0x3FFFFFC0, s11;
	[tilespmem:s14+$0x60] =	vst v3  }
0x120: {  	s11 =	sadd.s32 $0x2800, s11;
	[tilespmem:s14+$0x70] =	vst v1  }
0x121: {  	[spmem:s2] =	stream.indirect.scatter.add.f32 [tilespmem:s28], [sflag:$0x4], $0x80, s11, s24, $0xb8;
	[tilespmem:$0x1F080] =	vst v63  }
0x122: {  	_ =	swait.ge [sflag:s25], $0x2000  }
0x123: {  	[sflag:s25] =	ssyncset.done $0x0  }
0x124: {  	[sflag:s25] =	ssyncadd.s32 $0xFFFFE000  }
0x125: {  	s8 =	stileid.u32;
	_ =	swait.ge [sflag:s0], $0x2000  }
0x126: {  	s9 =	sshrl.u32 s10, $0x3;
	s7 =	sadd.s32 $0x1, s7;
	[sflag:s0] =	ssyncset.done $0x0  }
0x127: {  	s8 =	sshll.u32 s8, $0x6;
	p0 =	sne.s32 s7, s21;
	[sflag:s0] =	ssyncadd.s32 $0xFFFFE000  }
.Ltmp4:
0x128: {  	s8 =	sor.u32 $0x1C05, s8;
	[bflag:$0x0] =	sbarrier.arrive $0xFFFF;
	(pc) =	sbr.rel @p0 .LBB2_1-.Ltmp4, $4  }
0x129: {  	[hbm:s20], [sflag:s8] =	dma.local [spmem:s9], $0x2800  }
0x12a: {  	_ =	swait.ge [sflag:s22], $0x2800  }
0x12b: {  	[sflag:s22] =	ssyncset.done $0x0  }
0x12c: {  	[sflag:s22] =	ssyncadd.s32 $0xFFFFD800  }
0x12d: {  	_ =	sfence.sel $0x180000  }
0x12e: {  	[bflag:$0x0] =	sbarrier.arrive $0xFFFF  }
0x12f: {  	_ =	strace $0x9000004A  }
0x130: {  	s0 =	stileid.u32;
	[bflag:$0x2] =	sbarrier.arrive $0xFFFF  }
0x131: {  	p0 =	sne.s32 s0, $0x0;
	s0 =	rddreg [dreg:$0x3]  }
0x132: {  	s0 =	sadd.s32 @!p0 $0x100000, s0  }
0x133: {  	[sflag:s0] =	ssyncadd.tile.s32 @!p0 $0x1;
	_ =	shalt  }
.Lfunc_end2:
_tile_overlayer_lowered:
.L_overlay_start_2:
0x134: {  	(tag) =	ssettag $0x2  }
0x135: {  	s0 =	rddreg [dreg:$0x0];
	s2 =	stileid.u32  }
0x136: {  	s1 =	rddreg [dreg:$0x1];
	p0 =	sne.s32 s2, $0x0  }
0x137: {  	s3 =	rddreg [dreg:$0x2];
	[bflag:$0x3] =	sbarrier.arrive $0xFFFF;
	s2 =	simm.s32 @!p0 $0x1C05  }
0x138: {  	[timem:s3], [sflag:s2] =	dma.local @!p0 [hbm:s0], s1  }
0x139: {  	s0 =	simm.s32 @!p0 $0x5  }
0x13a: {  	_ =	swait.ge @!p0 [sflag:s0], s1  }
0x13b: {  	s1 =	ssub.s32 @!p0 $0x0, s1;
	[sflag:s0] =	ssyncset.done @!p0 $0x0  }
0x13c: {  	[sflag:s0] =	ssyncadd.s32 @!p0 s1  }
0x13d: {  	[bflag:$0x3] =	sbarrier.arrive $0xFFFF  }
0x13e: {  	_ =	shalt  }

// kernel: kernel.7.cloned.1.call-start
scs
__scs_entry_jumppad:
0x0: {  	(pc) =	sbr.rel $0x88, $3  }
0x1: {  	(tag) =	ssettag $0x0;
	lr =	simm.s32 $0x1  }
0x2: {  	[smem:$0x3F97] =	sst lr;
	_ =	strace $0xD0000000  }
0x3: {  	_ = 	snop  }
0x4: {  	_ = 	snop  }
0x5: {  	_ = 	snop  }
0x6: {  	_ = 	snop  }
0x7: {  	_ = 	snop  }
__scs_overlays_trampoline_lowered:
0x8: {  	[smem:$0x3FA6] =	sst s0  }
0x9: {  	[smem:$0x3FA7] =	sst s1  }
0xa: {  	[smem:$0x3FA8] =	sst s2  }
0xb: {  	[smem:$0x3FA9] =	sst s3  }
0xc: {  	[smem:$0x3FAA] =	sst s4  }
0xd: {  	[smem:$0x3FAB] =	sst s5  }
0xe: {  	[smem:$0x3FAC] =	sst s6  }
0xf: {  	[smem:$0x3FAD] =	sst s7  }
0x10: {  	[smem:$0x3FAE] =	sst s8  }
0x11: {  	[smem:$0x3FAF] =	sst s9;
	s0 =	simm.s32 @!p0 $0x0  }
0x12: {  	s1 =	sld [smem:$0x3F95];
	s0 =	simm.s32 @p0 $0x1  }
0x13: {  	[smem:$0x3FB0] =	sst s0;
	s0 =	simm.s32 @!p1 $0x0  }
0x14: {  	s2 =	sld [smem:$0x3F94];
	s0 =	simm.s32 @p1 $0x1  }
0x15: {  	[smem:$0x3FB1] =	sst s0;
	s0 =	simm.s32 @!p2 $0x0  }
0x16: {  	s3 =	sld [smem:$0x3FDB];
	s0 =	simm.s32 @p2 $0x1  }
0x17: {  	s4 =	simm.s32 $0x1BF5;
	[smem:$0x3FB3] =	sst s0  }
0x18: {  	s0 =	sld [smem:$0x3F96];
	_ =	swait.ge [sflag:s4], $0x0  }
0x19: {  	s7 =	sld [smem:$0x3F97]  }
0x1a: {  	s8 =	sadd.s32 $0xFFFFE003, lr  }
0x1b: {  	s9 =	sadd.s32 $0xFFFFFEF7, lr;
	s5 =	simm.s32 $0xFFFFFFFF;
	p2 =	slt.u32 s8, $0xFFFFF086  }
0x1c: {  	p1 =	slt.u32 s9, $0xF7A;
	s5 =	simm.s32 @!p2 $0x0  }
0x1d: {  	s5 =	simm.s32 @p1 $0x1;
	p0 =	seq.s32 s7, s2  }
0x1e: {  	s7 =	smul.u32 @!p0 $0xF7A, s2;
	p2 =	seq.s32 @!p0 s5, $0x0  }
0x1f: {  	s9 =	smul.u32 $0xF7A, s1;
	s8 =	simm.s32 @!p0 $0x1BF5;
	p2 =	por !p2, p0  }
0x20: {  	[sflag:s8] =	ssyncset.s32 @!p0 $0xFFFFF086;
	s6 =	sadd.s32 @!p0 s3, s7;
	s7 =	simm.s32 @!p0 $0x108  }
0x21: {  	s3 =	sadd.s32 s3, s9;
	s6 =	sadd.s32 @!p0 $0x88, s6;
	s7 =	simm.s32 @p2 $0x1082  }
0x22: {  	[simem:s7], [sflag:s8] =	dma.local @!p0 [hbm:s6], $0xF7A  }
0x23: {  	s9 =	sor.u32 $0xD0000000, s2;
	s6 =	simm.s32 $0x108;
	_ =	swait.ge @!p0 [sflag:s8], $0x0  }
0x24: {  	s3 =	sadd.s32 $0x88, s3;
	s6 =	simm.s32 @!p1 $0x1082;
	[sflag:s4] =	ssyncset.s32 $0xFFFFF086  }
0x25: {  	[simem:s6], [sflag:s4] =	dma.local [hbm:s3], $0xF7A  }
0x26: {  	[smem:$0x3F97] =	sst s1;
	(tag) =	ssettag s2;
	_ =	strace s9  }
0x27: {  	s1 =	sld [smem:$0x3FA7]  }
0x28: {  	s2 =	sld [smem:$0x3FA8]  }
0x29: {  	s4 =	sld [smem:$0x3FAA]  }
0x2a: {  	p0 =	seq.s32 s5, $0x0;
	s5 =	sld [smem:$0x3FAB]  }
0x2b: {  	s6 =	sld [smem:$0x3FAC]  }
0x2c: {  	s7 =	sld [smem:$0x3FAD]  }
0x2d: {  	s3 =	simm.s32 $0x108;
	s8 =	sld [smem:$0x3FAE]  }
0x2e: {  	s3 =	simm.s32 @!p0 $0x1082;
	s9 =	sld [smem:$0x3FAF]  }
0x2f: {  	lr =	sadd.s32 s0, s3;
	s0 =	sld [smem:$0x3FA6]  }
0x30: {  	s3 =	sld [smem:$0x3FA9]  }
0x31: {  	[smem:$0x3FB2] =	sst s10  }
0x32: {  	s10 =	sld [smem:$0x3FB0];
	_ =	sdelay $0x3  }
0x33: {  	p0 =	seq.s32 s10, $0x1;
	s10 =	sld [smem:$0x3FB2];
	_ =	sdelay $0x3  }
0x34: {  	[smem:$0x3FB2] =	sst s10  }
0x35: {  	s10 =	sld [smem:$0x3FB1];
	_ =	sdelay $0x3  }
0x36: {  	p1 =	seq.s32 s10, $0x1;
	s10 =	sld [smem:$0x3FB2];
	_ =	sdelay $0x3  }
0x37: {  	[smem:$0x3FB2] =	sst s10  }
0x38: {  	s10 =	sld [smem:$0x3FB3]  }
0x39: {  	_ = 	snop;
	(pc) =	sbr.ind lr, $3  }
0x3a: {  	_ = 	snop  }
0x3b: {  	_ = 	snop  }
0x3c: {  	p2 =	seq.s32 s10, $0x1;
	s10 =	sld [smem:$0x3FB2]  }
0x3d: {  	_ =	shalt  }
0x3e: {  	_ =	shalt  }
0x3f: {  	_ =	shalt  }
0x40: {  	_ =	shalt  }
0x41: {  	_ =	shalt  }
0x42: {  	_ =	shalt  }
0x43: {  	_ =	shalt  }
0x44: {  	_ =	shalt  }
0x45: {  	_ =	shalt  }
0x46: {  	_ =	shalt  }
0x47: {  	_ =	shalt  }
0x48: {  	_ =	shalt  }
0x49: {  	_ =	shalt  }
0x4a: {  	_ =	shalt  }
0x4b: {  	_ =	shalt  }
0x4c: {  	_ =	shalt  }
0x4d: {  	_ =	shalt  }
0x4e: {  	_ =	shalt  }
0x4f: {  	_ =	shalt  }
0x50: {  	_ =	shalt  }
0x51: {  	_ =	shalt  }
0x52: {  	_ =	shalt  }
0x53: {  	_ =	shalt  }
0x54: {  	_ =	shalt  }
0x55: {  	_ =	shalt  }
0x56: {  	_ =	shalt  }
0x57: {  	_ =	shalt  }
0x58: {  	_ =	shalt  }
0x59: {  	_ =	shalt  }
0x5a: {  	_ =	shalt  }
0x5b: {  	_ =	shalt  }
0x5c: {  	_ =	shalt  }
0x5d: {  	_ =	shalt  }
0x5e: {  	_ =	shalt  }
0x5f: {  	_ =	shalt  }
0x60: {  	_ =	shalt  }
0x61: {  	_ =	shalt  }
0x62: {  	_ =	shalt  }
0x63: {  	_ =	shalt  }
0x64: {  	_ =	shalt  }
0x65: {  	_ =	shalt  }
0x66: {  	_ =	shalt  }
0x67: {  	_ =	shalt  }
0x68: {  	_ =	shalt  }
0x69: {  	_ =	shalt  }
0x6a: {  	_ =	shalt  }
0x6b: {  	_ =	shalt  }
0x6c: {  	_ =	shalt  }
0x6d: {  	_ =	shalt  }
0x6e: {  	_ =	shalt  }
0x6f: {  	_ =	shalt  }
0x70: {  	_ =	shalt  }
0x71: {  	_ =	shalt  }
0x72: {  	_ =	shalt  }
0x73: {  	_ =	shalt  }
0x74: {  	_ =	shalt  }
0x75: {  	_ =	shalt  }
0x76: {  	_ =	shalt  }
0x77: {  	_ =	shalt  }
0x78: {  	_ =	shalt  }
0x79: {  	_ =	shalt  }
0x7a: {  	_ =	shalt  }
0x7b: {  	_ =	shalt  }
0x7c: {  	_ =	shalt  }
0x7d: {  	_ =	shalt  }
0x7e: {  	_ =	shalt  }
0x7f: {  	_ =	shalt  }
0x80: {  	_ =	shalt  }
0x81: {  	_ =	shalt  }
0x82: {  	_ =	shalt  }
0x83: {  	_ =	shalt  }
0x84: {  	_ =	shalt  }
0x85: {  	_ =	shalt  }
0x86: {  	_ =	shalt  }
0x87: {  	_ =	shalt  }
.Lfunc_end0:
.L_simem_size_0:
called_computation_lowered:
.L_overlay_start_0:
0x88: {  	s2 =	sld [smem:$0x3FD9]  }
0x89: {  	s3 =	sld [smem:$0x3FFE];
	_ =	sdelay $0x1  }
0x8a: {  	s1 =	srdreg.scid  }
0x8b: {  	s0 =	sand.u32 $0x1, s1  }
0x8c: {  	s17 =	sshll.u32 s0, $0xA;
	s2 =	sadd.s32 s3, s2  }
0x8d: {  	s2 =	sadd.s32 s2, s17  }
0x8e: {  	[smem:$0x3FBE] =	sst s2  }
0x8f: {  	_ = 	snop  }
0x90: {  	s2 =	sld [smem:$0x3FD0];
	(tm) =	ssettm $0x1  }
0x91: {  	s18 =	sld [smem:$0x3FFB];
	_ =	sdelay $0x3  }
0x92: {  	_ =	strace s18  }
0x93: {  	s3 =	sld [smem:$0x3FFC];
	_ =	sdelay $0x3  }
0x94: {  	_ =	strace s3  }
0x95: {  	s3 =	sld [smem:$0x3FFD];
	_ =	sdelay $0x3  }
0x96: {  	_ =	strace s3  }
0x97: {  	_ =	strace $0x8FFFFFFF  }
0x98: {  	s19 =	sld [smem:$0x3FDB];
	_ =	sdelay $0x1  }
0x99: {  	s4 =	simm.s32 $_scs_section_size  }
0x9a: {  	s5 =	simm.s32 $_size__tile_overlayer_lowered;
	s6 =	simm.s32 $_tile_overlayer_lowered  }
0x9b: {  	s22 =	simm.s32 $0x1BFF;
	s21 =	sshll.u32 s6, $0x1;
	s3 =	sadd.s32 s4, s19  }
0x9c: {  	s7 =	simm.s32 $0x0;
	s20 =	sshll.u32 s5, $0x1;
	s5 =	sadd.s32 s21, s3  }
0x9d: {  	[timem:s7], [sflag:s22] =	dma.local [hbm:s5], s20  }
0x9e: {  	_ =	swait.ge [sflag:s22], s20  }
0x9f: {  	s4 =	ssub.s32 $0x0, s20;
	[sflag:s22] =	ssyncset.done $0x0  }
0xa0: {  	[sflag:s22] =	ssyncadd.s32 s4;
	_ =	sdelay $0x1  }
0xa1: {  	s23 =	simm.s32 $0x1B8B  }
0xa2: {  	_ =	swait.ge [sflag:s23], $0x1  }
0xa3: {  	[sflag:s23] =	ssyncset.done $0x0  }
0xa4: {  	s25 =	simm.s32 $0x1B8E;
	s24 =	sld [smem:$0x3FFE];
	[sflag:s23] =	ssyncadd.s32 $0xFFFFFFFF  }
0xa5: {  	s26 =	simm.s32 $execute0_lowered;
	[smem:$0x3FD2] =	sst s25  }
0xa6: {  	s5 =	sshll.u32 s26, $0x1;
	_ =	strace $0x80000046;
	[dreg:$0x1] =	wrdreg $0xFFFFFFFF  }
0xa7: {  	s28 =	simm.s32 $_size_execute0_lowered;
	s3 =	sadd.s32 s3, s5;
	[dreg:$0x0] =	wrdreg $0x0  }
0xa8: {  	s5 =	sshll.u32 s28, $0x1;
	[dreg:$0x2] =	wrdreg s3  }
0xa9: {  	[dreg:$0x3] =	wrdreg s5  }
0xaa: {  	[dreg:$0x4] =	wrdreg $0xC0  }
0xab: {  	_ =	task [dreg:s7], $0x5FFFF  }
0xac: {  	[dreg:$0x1] =	wrdreg $0xFFFFFFFF  }
0xad: {  	[dreg:$0x0] =	wrdreg $0x60  }
0xae: {  	[dreg:$0x2] =	wrdreg s2  }
0xaf: {  	[dreg:$0x3] =	wrdreg s24  }
0xb0: {  	[dreg:$0x4] =	wrdreg $0xCAC00  }
0xb1: {  	[dreg:$0x5] =	wrdreg $0xCD400  }
0xb2: {  	[dreg:$0x6] =	wrdreg $0x9  }
0xb3: {  	_ =	task.clear_ibuf [dreg:s7], $0x7FFFF;
	_ =	strace $0x90000046  }
0xb4: {  	s29 =	simm.s32 $0x9;
	_ =	strace $0x80000048  }
0xb5: {  	_ =	swait.ge [sflag:s29], $0x1  }
0xb6: {  	[sflag:s29] =	ssyncadd.s32 $0xFFFFFFFF  }
0xb7: {  	_ =	strace $0x90000048  }
0xb8: {  	_ =	sfence  }
0xb9: {  	s30 =	sld [smem:$0x0];
	_ =	sdelay $0x2  }
0xba: {  	s31 =	sshll.u32 s1, $0xD;
	s1 =	sshrl.u32 s1, $0x2  }
0xbb: {  	s3 =	sand.u32 $0x4000, s31;
	s1 =	sadd.s32 s1, s30  }
0xbc: {  	s0 =	sor.u32 s3, s0;
	s1 =	sshll.u32 s1, $0x11  }
0xbd: {  	s0 =	sor.u32 s1, s0  }
0xbe: {  	s0 =	sadd.s32 $0x8F2B, s0  }
0xbf: {  	[sflag:s0] =	ssyncadd.remote.s32 $0x1  }
0xc0: {  	_ =	sfence.sel $0xFFFF  }
0xc1: {  	[dreg:$0x0] =	wrdreg $0xFFFFFFFF;
	(pc) =	sbr.abs _section_cstart, $3  }
0xc2: {  	[dreg:$0x1] =	wrdreg $0xFFFFFFFF  }
0xc3: {  	_ =	task.clear_ibuf [dreg:s7], $0x2FFFF;
	_ =	strace $0x9FFFFFFF  }
0xc4: {  	(tm) =	ssettm $0x7FFFFFFF  }
0xc5: {  	_ =	shalt  }
tec
execute0_lowered:
.L_overlay_start_1:
0x0: {  	(tag) =	ssettag $0x1  }
0x1: {  	s7 =	rddreg [dreg:$0x0]  }
0x2: {  	s6 =	rddreg [dreg:$0x1]  }
0x3: {  	s2 =	rddreg [dreg:$0x2]  }
0x4: {  	s3 =	rddreg [dreg:$0x3];
	s4 =	srdreg.scid  }
0x5: {  	s1 =	stileid.u32;
	s0 =	rddreg [dreg:$0x4];
	s15 =	simm.s32 $0x3  }
0x6: {  	s16 =	simm.s32 $0x2800;
	s17 =	simm.s32 $0x5000;
	s18 =	simm.s32 $0x7800  }
0x7: {  	s19 =	simm.s32 $0xC840;
	s20 =	simm.s32 $0x40;
	s21 =	simm.s32 $0xC800  }
0x8: {  	s22 =	simm.s32 $0x1;
	s23 =	simm.s32 $0x2;
	s24 =	simm.s32 $0xA000  }
0x9: {  	s25 =	simm.s32 $0x0;
	s8 =	sand.u32 $0x1, s4;
	s10 =	smul.u32 $0x280, s1  }
0xa: {  	s4 =	simm.s32 $0x0;
	s5 =	sshll.u32 s1, $0x1;
	s9 =	smul.u32 $0x2800, s8  }
0xb: {  	[smem:$0x7FF] =	sst s4;
	s5 =	sor.u32 s8, s5;
	s8 =	ssub.s32 $0x2, s8  }
0xc: {  	_ =	strace $0x80000047;
	s11 =	smul.u32 $0x500, s5;
	s31 =	sshrl.u32 s8, $0x1  }
0xd: {  	s5 =	sadd.s32 $0x1600, s6;
	s9 =	sadd.s32 s10, s9;
	s14 =	ssub.s32 s8, s31  }
0xe: {  	s9 =	sshrl.u32 s9, $0x3;
	s12 =	sadd.s32 s11, s6;
	s7 =	sadd.s32 s7, s11  }
0xf: {  	s14 =	smax.u32 s14, $0x1;
	s13 =	sadd.s32 s9, s6;
	s6 =	sadd.s32 $0x1B00, s6  }
0x10: {  	s8 =	sadd.s32 $0x2000, s12;
	s9 =	sadd.s32 s10, s2;
	s10 =	sadd.s32 s10, s3  }
0x11: {  	v0 =	vimm.f32 $1.000000000e+00;
	v1 =	vimm.f32 $0.0e+00;
	s11 =	sadd.s32 $0xD400, s12;
	s12 =	sadd.s32 $0xCA00, s13;
	s13 =	sadd.s32 $0xC000, s13  }
.LBB2_1:
0x12: {  	[tilespmem:s4], [sflag:$0x3] =	stream.linear.gather [hbm4b:s5+s4], $0x2800, $0x38;
	[tilespmem:$0xCFC0] =	vst v63  }
0x13: {  	_ =	swait.ge [sflag:s15], $0x2800  }
0x14: {  	[sflag:s15] =	ssyncset.done $0x0  }
0x15: {  	[sflag:s15] =	ssyncadd.s32 $0xFFFFD800  }
0x16: {  	[tilespmem:s16], [sflag:$0x3] =	stream.linear.gather [hbm4b:s6+s4], $0x2800, $0x38;
	[tilespmem:$0xCFC0] =	vst v63  }
0x17: {  	_ =	swait.ge [sflag:s15], $0x2800  }
0x18: {  	[sflag:s15] =	ssyncset.done $0x0  }
0x19: {  	[sflag:s15] =	ssyncadd.s32 $0xFFFFD800  }
0x1a: {  	[tilespmem:s17], [sflag:$0x3] =	stream.linear.gather [hbm4b:s7+s4], $0x2800, $0x38;
	[tilespmem:$0xCFC0] =	vst v63  }
0x1b: {  	_ =	swait.ge [sflag:s15], $0x2800  }
0x1c: {  	[sflag:s15] =	ssyncset.done $0x0  }
0x1d: {  	[sflag:s15] =	ssyncadd.s32 $0xFFFFD800  }
0x1e: {  	[tilespmem:s18], [sflag:$0x3] =	stream.linear.gather [hbm4b:s8+s4], $0x2800, $0x38;
	[tilespmem:$0xCFC0] =	vst v63  }
0x1f: {  	_ =	swait.ge [sflag:s15], $0x2800  }
0x20: {  	[sflag:s15] =	ssyncset.done $0x0  }
0x21: {  	[sflag:s15] =	ssyncadd.s32 $0xFFFFD800  }
0x22: {  	[tilespmem:$0xC800] =	vst v0  }
0x23: {  	[tilespmem:$0xC810] =	vst v0  }
0x24: {  	[tilespmem:$0xC820] =	vst v0  }
0x25: {  	[tilespmem:$0xC830] =	vst v0  }
0x26: {  	[tilespmem:$0xC840] =	vst v1  }
0x27: {  	[tilespmem:$0xC850] =	vst v1  }
0x28: {  	[tilespmem:$0xC860] =	vst v1  }
0x29: {  	[tilespmem:$0xC870] =	vst v1  }
0x2a: {  	[tilespmem:$0xC880] =	vst v1  }
0x2b: {  	[tilespmem:$0xC890] =	vst v1  }
0x2c: {  	[tilespmem:$0xC8A0] =	vst v1  }
0x2d: {  	[tilespmem:$0xC8B0] =	vst v1  }
0x2e: {  	[tilespmem:$0xC8C0] =	vst v1  }
0x2f: {  	[tilespmem:$0xC8D0] =	vst v1  }
0x30: {  	[tilespmem:$0xC8E0] =	vst v1  }
0x31: {  	[tilespmem:$0xC8F0] =	vst v1  }
0x32: {  	[tilespmem:$0xC900] =	vst v1  }
0x33: {  	[tilespmem:$0xC910] =	vst v1  }
0x34: {  	[tilespmem:$0xC920] =	vst v1  }
0x35: {  	[tilespmem:$0xC930] =	vst v1  }
0x36: {  	[tilespmem:$0xC940] =	vst v1  }
0x37: {  	[tilespmem:$0xC950] =	vst v1  }
0x38: {  	[tilespmem:$0xC960] =	vst v1  }
0x39: {  	[tilespmem:$0xC970] =	vst v1  }
0x3a: {  	[tilespmem:$0xC980] =	vst v1  }
0x3b: {  	[tilespmem:$0xC990] =	vst v1  }
0x3c: {  	[tilespmem:$0xC9A0] =	vst v1  }
0x3d: {  	[tilespmem:$0xC9B0] =	vst v1  }
0x3e: {  	[tilespmem:$0xC9C0] =	vst v1  }
0x3f: {  	[tilespmem:$0xC9D0] =	vst v1  }
0x40: {  	[tilespmem:$0xC9E0] =	vst v1  }
0x41: {  	[tilespmem:$0xC9F0] =	vst v1  }
0x42: {  	[tilespmem:$0xCA00] =	vst v1  }
0x43: {  	[tilespmem:$0xCA10] =	vst v1  }
0x44: {  	[tilespmem:$0xCA20] =	vst v1  }
0x45: {  	[tilespmem:$0xCA30] =	vst v1  }
0x46: {  	[tilespmem:$0xCA40] =	vst v1  }
0x47: {  	[tilespmem:$0xCA50] =	vst v1  }
0x48: {  	[tilespmem:$0xCA60] =	vst v1  }
0x49: {  	[tilespmem:$0xCA70] =	vst v1  }
0x4a: {  	[tilespmem:$0xCA80] =	vst v1  }
0x4b: {  	[tilespmem:$0xCA90] =	vst v1  }
0x4c: {  	[tilespmem:$0xCAA0] =	vst v1  }
0x4d: {  	[tilespmem:$0xCAB0] =	vst v1  }
0x4e: {  	[spmem:s9] =	stream.linear.scatter [tilespmem:s19], [sflag:$0x3], $0x280, $0x38;
	[tilespmem:$0xCFC0] =	vst v63  }
0x4f: {  	_ =	swait.ge [sflag:s15], $0x280  }
0x50: {  	[sflag:s15] =	ssyncset.done $0x0  }
0x51: {  	[sflag:s15] =	ssyncadd.s32 $0xFFFFFD80  }
0x52: {  	[spmem:s10] =	stream.linear.scatter [tilespmem:s19], [sflag:$0x3], $0x280, $0x38;
	[tilespmem:$0xCFC0] =	vst v63  }
0x53: {  	_ =	swait.ge [sflag:s15], $0x280  }
0x54: {  	[sflag:s15] =	ssyncset.done $0x0  }
0x55: {  	[sflag:s15] =	ssyncadd.s32 $0xFFFFFD80  }
0x56: {  	s26 =	simm.s32 $0x0;
	[bflag:$0x0] =	sbarrier.arrive $0xFFFF  }
0x57: {  	v2 =	vld [tilespmem:s26+$0x5000]  }
0x58: {  	v3 =	vld [tilespmem:s26+$0x7800];
	_ =	sdelay $0x6  }
0x59: {  	v2 =	vld.idx.msk [tilespmem:v2+s4+$0x0], $0xffff  }
0x5a: {  	v3 =	vld.idx.msk [tilespmem:v3+s16+$0x0], $0xffff;
	_ =	sdelay $0x4  }
0x5b: {  	v2 =	vadd.f32 v3, v2;
	_ =	sdelay $0x1  }
0x5c: {  	v3 =	vmul.f32 $2.000000030e-01, v2;
	_ =	sdelay $0x1  }
0x5d: {  	v2 =	vmax.f32 v2, v3  }
0x5e: {  	v2 =	vmul.f32 $1.442695020e+00, v2;
	_ =	sdelay $0x1  }
0x5f: {  	(erf) = vpow2.f32 v2;
	_ =	sdelay $0x2  }
0x60: {  	v2 =	vld [tilespmem:s26+$0x5010]  }
0x61: {  	v3 =	vld [tilespmem:s26+$0x7810];
	_ =	sdelay $0x4  }
0x62: {  	v4 =	vpop (erf)  }
0x63: {  	[tilespmem:s26+$0xA000] =	vst v4  }
0x64: {  	v2 =	vld.idx.msk [tilespmem:v2+s4+$0x0], $0xffff  }
0x65: {  	v3 =	vld.idx.msk [tilespmem:v3+s16+$0x0], $0xffff;
	_ =	sdelay $0x4  }
0x66: {  	v2 =	vadd.f32 v3, v2;
	_ =	sdelay $0x1  }
0x67: {  	v3 =	vmul.f32 $2.000000030e-01, v2;
	_ =	sdelay $0x1  }
0x68: {  	v2 =	vmax.f32 v2, v3  }
0x69: {  	v2 =	vmul.f32 $1.442695020e+00, v2;
	_ =	sdelay $0x1  }
0x6a: {  	(erf) = vpow2.f32 v2;
	_ =	sdelay $0x2  }
0x6b: {  	v2 =	vld [tilespmem:s26+$0x5020]  }
0x6c: {  	v3 =	vld [tilespmem:s26+$0x7820];
	_ =	sdelay $0x4  }
0x6d: {  	v62 =	vpop (erf)  }
0x6e: {  	[tilespmem:s26+$0xA010] =	vst v62  }
0x6f: {  	v2 =	vld.idx.msk [tilespmem:v2+s4+$0x0], $0xffff  }
0x70: {  	v3 =	vld.idx.msk [tilespmem:v3+s16+$0x0], $0xffff;
	_ =	sdelay $0x4  }
0x71: {  	v2 =	vadd.f32 v3, v2;
	_ =	sdelay $0x1  }
0x72: {  	v3 =	vmul.f32 $2.000000030e-01, v2;
	_ =	sdelay $0x1  }
0x73: {  	v2 =	vmax.f32 v2, v3  }
0x74: {  	v2 =	vmul.f32 $1.442695020e+00, v2;
	_ =	sdelay $0x1  }
0x75: {  	(erf) = vpow2.f32 v2;
	_ =	sdelay $0x2  }
0x76: {  	v2 =	vld [tilespmem:s26+$0x5030]  }
0x77: {  	v3 =	vld [tilespmem:s26+$0x7830];
	_ =	sdelay $0x4  }
0x78: {  	v63 =	vpop (erf)  }
0x79: {  	[tilespmem:s26+$0xA020] =	vst v63  }
0x7a: {  	v2 =	vld.idx.msk [tilespmem:v2+s4+$0x0], $0xffff  }
0x7b: {  	v3 =	vld.idx.msk [tilespmem:v3+s16+$0x0], $0xffff;
	_ =	sdelay $0x4  }
0x7c: {  	v2 =	vadd.f32 v3, v2;
	_ =	sdelay $0x1  }
0x7d: {  	v3 =	vmul.f32 $2.000000030e-01, v2;
	_ =	sdelay $0x1  }
0x7e: {  	v2 =	vmax.f32 v2, v3  }
0x7f: {  	v2 =	vmul.f32 $1.442695020e+00, v2;
	_ =	sdelay $0x1  }
0x80: {  	(erf) = vpow2.f32 v2;
	_ =	sdelay $0x8  }
0x81: {  	v2 =	vpop (erf)  }
0x82: {  	s28 =	simm.s32 $0x7800;
	[tilespmem:s26+$0xA030] =	vst v2  }
0x83: {  	[spmem:s2] =	stream.indirect.scatter.add.f32 [tilespmem:s21], [sflag:$0x1], $0x1, s28, s20, $0xb8;
	[tilespmem:$0xCFC0] =	vst v63  }
0x84: {  	s31 =	simm.s32 $0xA000  }
0x85: {  	[spmem:s3] =	stream.indirect.scatter.add.f32 [tilespmem:s31], [sflag:$0x2], $0x1, s28, s20, $0xb8;
	[tilespmem:$0xCFC0] =	vst v63  }
0x86: {  	s26 =	simm.s32 $0x100;
	_ =	swait.ge [sflag:s22], $0x40  }
.LBB2_2:
0x87: {  	p0 =	sne.s32 s26, $0x9F00  }
0x88: {  	[sflag:s22] =	ssyncset.done $0x0;
	s28 =	smov.u32 s26;
	s26 =	sadd.s32 $0x100, s26  }
0x89: {  	[sflag:s22] =	ssyncadd.s32 $0xFFFFFFC0  }
0x8a: {  	_ =	swait.ge [sflag:s23], $0x40  }
0x8b: {  	[sflag:s23] =	ssyncset.done $0x0  }
0x8c: {  	s28 =	sshra.s32 s28, $0x2;
	[sflag:s23] =	ssyncadd.s32 $0xFFFFFFC0  }
0x8d: {  	v2 =	vld [tilespmem:s28+$0x5000]  }
0x8e: {  	v3 =	vld [tilespmem:s28+$0x7800];
	_ =	sdelay $0x6  }
0x8f: {  	v2 =	vld.idx.msk [tilespmem:v2+s4+$0x0], $0xffff  }
0x90: {  	v3 =	vld.idx.msk [tilespmem:v3+s16+$0x0], $0xffff;
	_ =	sdelay $0x5  }
0x91: {  	v2 =	vadd.f32 v3, v2;
	_ =	sdelay $0x1  }
0x92: {  	v3 =	vmul.f32 $2.000000030e-01, v2;
	_ =	sdelay $0x1  }
0x93: {  	v2 =	vmax.f32 v2, v3  }
0x94: {  	v2 =	vmul.f32 $1.442695020e+00, v2;
	_ =	sdelay $0x1  }
0x95: {  	(erf) = vpow2.f32 v2;
	_ =	sdelay $0x1  }
0x96: {  	v2 =	vld [tilespmem:s28+$0x7810]  }
0x97: {  	v3 =	vld [tilespmem:s28+$0x5010];
	_ =	sdelay $0x5  }
0x98: {  	v4 =	vpop (erf)  }
0x99: {  	[tilespmem:s28+$0xA000] =	vst v4  }
0x9a: {  	v3 =	vld.idx.msk [tilespmem:v3+s4+$0x0], $0xffff  }
0x9b: {  	v2 =	vld.idx.msk [tilespmem:v2+s16+$0x0], $0xffff;
	_ =	sdelay $0x5  }
0x9c: {  	v2 =	vadd.f32 v2, v3;
	_ =	sdelay $0x1  }
0x9d: {  	v3 =	vmul.f32 $2.000000030e-01, v2;
	_ =	sdelay $0x1  }
0x9e: {  	v2 =	vmax.f32 v2, v3  }
0x9f: {  	v2 =	vmul.f32 $1.442695020e+00, v2;
	_ =	sdelay $0x1  }
0xa0: {  	(erf) = vpow2.f32 v2;
	_ =	sdelay $0x1  }
0xa1: {  	v2 =	vld [tilespmem:s28+$0x7820]  }
0xa2: {  	v3 =	vld [tilespmem:s28+$0x5020];
	_ =	sdelay $0x5  }
0xa3: {  	v4 =	vpop (erf)  }
0xa4: {  	[tilespmem:s28+$0xA010] =	vst v4  }
0xa5: {  	v3 =	vld.idx.msk [tilespmem:v3+s4+$0x0], $0xffff  }
0xa6: {  	v2 =	vld.idx.msk [tilespmem:v2+s16+$0x0], $0xffff;
	_ =	sdelay $0x5  }
0xa7: {  	v2 =	vadd.f32 v2, v3;
	_ =	sdelay $0x1  }
0xa8: {  	v3 =	vmul.f32 $2.000000030e-01, v2;
	_ =	sdelay $0x1  }
0xa9: {  	v2 =	vmax.f32 v2, v3  }
0xaa: {  	v2 =	vmul.f32 $1.442695020e+00, v2;
	_ =	sdelay $0x1  }
0xab: {  	(erf) = vpow2.f32 v2;
	_ =	sdelay $0x1  }
0xac: {  	v2 =	vld [tilespmem:s28+$0x7830]  }
0xad: {  	v3 =	vld [tilespmem:s28+$0x5030];
	_ =	sdelay $0x5  }
0xae: {  	v4 =	vpop (erf)  }
0xaf: {  	[tilespmem:s28+$0xA020] =	vst v4  }
0xb0: {  	v3 =	vld.idx.msk [tilespmem:v3+s4+$0x0], $0xffff  }
0xb1: {  	v2 =	vld.idx.msk [tilespmem:v2+s16+$0x0], $0xffff;
	_ =	sdelay $0x5  }
0xb2: {  	v2 =	vadd.f32 v2, v3;
	_ =	sdelay $0x1  }
0xb3: {  	v3 =	vmul.f32 $2.000000030e-01, v2;
	_ =	sdelay $0x1  }
0xb4: {  	v2 =	vmax.f32 v2, v3  }
0xb5: {  	v2 =	vmul.f32 $1.442695020e+00, v2;
	_ =	sdelay $0x1  }
0xb6: {  	(erf) = vpow2.f32 v2;
	_ =	sdelay $0x5  }
0xb7: {  	s29 =	sadd.s32 $0x7800, s28;
	_ =	sdelay $0x1  }
0xb8: {  	s30 =	sadd.s32 $0xA000, s28  }
0xb9: {  	v2 =	vpop (erf)  }
.Ltmp0:
0xba: {  	[tilespmem:s28+$0xA030] =	vst v2;
	(pc) =	sbr.rel @p0 .LBB2_2-.Ltmp0, $4  }
0xbb: {  	[spmem:s2] =	stream.indirect.scatter.add.f32 [tilespmem:s21], [sflag:$0x1], $0x1, s29, s20, $0xb8;
	[tilespmem:$0xCFC0] =	vst v63  }
0xbc: {  	_ = 	snop  }
0xbd: {  	[spmem:s3] =	stream.indirect.scatter.add.f32 [tilespmem:s30], [sflag:$0x2], $0x1, s29, s20, $0xb8;
	[tilespmem:$0xCFC0] =	vst v63  }
0xbe: {  	_ =	swait.ge [sflag:s22], $0x40  }
0xbf: {  	[sflag:s22] =	ssyncset.done $0x0  }
0xc0: {  	[sflag:s22] =	ssyncadd.s32 $0xFFFFFFC0  }
0xc1: {  	_ =	swait.ge [sflag:s23], $0x40  }
0xc2: {  	[sflag:s23] =	ssyncset.done $0x0  }
0xc3: {  	[sflag:s23] =	ssyncadd.s32 $0xFFFFFFC0  }
0xc4: {  	[hbm4b:s11+s4] =	stream.linear.scatter [tilespmem:s24], [sflag:$0x3], $0x2800, $0x38;
	[tilespmem:$0xCFC0] =	vst v63  }
0xc5: {  	_ =	swait.ge [sflag:s15], $0x2800  }
0xc6: {  	[sflag:s15] =	ssyncset.done $0x0  }
0xc7: {  	s26 =	sshll.u32 s1, $0x6;
	[sflag:s15] =	ssyncadd.s32 $0xFFFFD800  }
0xc8: {  	s28 =	sshrl.u32 s9, $0x3;
	s26 =	sor.u32 $0x1C03, s26;
	[bflag:$0x0] =	sbarrier.arrive $0xFFFF  }
0xc9: {  	[hbm:s12], [sflag:s26] =	dma.local [spmem:s28], $0x50  }
0xca: {  	s25 =	sadd.s32 $0x1, s25;
	_ =	swait.ge [sflag:s15], $0x50  }
0xcb: {  	p0 =	sne.s32 s25, s14;
	[sflag:s15] =	ssyncset.done $0x0  }
.Ltmp1:
0xcc: {  	s31 =	sshrl.u32 s10, $0x3;
	[sflag:s15] =	ssyncadd.s32 $0xFFFFFFB0;
	(pc) =	sbr.rel @p0 .LBB2_1-.Ltmp1, $4  }
0xcd: {  	[hbm:s13], [sflag:s26] =	dma.local [spmem:s31], $0x50  }
0xce: {  	_ =	swait.ge [sflag:s15], $0x50  }
0xcf: {  	[sflag:s15] =	ssyncset.done $0x0  }
0xd0: {  	[sflag:s15] =	ssyncadd.s32 $0xFFFFFFB0  }
0xd1: {  	_ =	sfence.sel $0x180000  }
0xd2: {  	[bflag:$0x0] =	sbarrier.arrive $0xFFFF  }
0xd3: {  	p0 =	sne.s32 s1, $0x0;
	_ =	strace $0x90000047  }
0xd4: {  	s0 =	sadd.s32 @!p0 $0x100000, s0;
	[bflag:$0x2] =	sbarrier.arrive $0xFFFF  }
0xd5: {  	[sflag:s0] =	ssyncadd.tile.s32 @!p0 $0x1;
	_ =	shalt  }
.Lfunc_end2:
_tile_overlayer_lowered:
.L_overlay_start_2:
0xd6: {  	(tag) =	ssettag $0x2  }
0xd7: {  	s0 =	rddreg [dreg:$0x0];
	s2 =	stileid.u32  }
0xd8: {  	s1 =	rddreg [dreg:$0x1];
	p0 =	sne.s32 s2, $0x0  }
0xd9: {  	s3 =	rddreg [dreg:$0x2];
	[bflag:$0x3] =	sbarrier.arrive $0xFFFF;
	s2 =	simm.s32 @!p0 $0x1C03  }
0xda: {  	[timem:s3], [sflag:s2] =	dma.local @!p0 [hbm:s0], s1  }
0xdb: {  	s0 =	simm.s32 @!p0 $0x3  }
0xdc: {  	_ =	swait.ge @!p0 [sflag:s0], s1  }
0xdd: {  	s1 =	ssub.s32 @!p0 $0x0, s1;
	[sflag:s0] =	ssyncset.done @!p0 $0x0  }
0xde: {  	[sflag:s0] =	ssyncadd.s32 @!p0 s1  }
0xdf: {  	[bflag:$0x3] =	sbarrier.arrive $0xFFFF  }
0xe0: {  	_ =	shalt  }

</sc_bundles>
